<compile_context>
chip_gen: v7x
topology: tpu7x:2x2x1
jax: 0.10.2.dev20260603
libtpu: 0.0.44.dev20260713+nightly
codegen_flags: <defaults>
</compile_context>

<pallas_src>
import functools

import jax
import jax.numpy as jnp
from jax import lax
from jax.experimental import pallas as pl
from jax.experimental.pallas import tpu as pltpu
from jax.experimental.pallas import tpu_sc as plsc

N = 10000
E = 320000
F = 128
NC = 2
NS = 16
NW = NC * NS
EPW = E // NW
B = 80
KCH = EPW // B
NPT = N // NS
NBUF = 3
PF = 2
WB = NPT // B
WBR = NPT - WB * B

_mesh = plsc.VectorSubcoreMesh(core_axis_name="c", subcore_axis_name="s")
_sc_params = pltpu.CompilerParams(use_tc_tiling_on_sc=False)


@functools.partial(
    pl.kernel,
    out_type=jax.ShapeDtypeStruct((NC, N), jnp.float32),
    mesh=_mesh,
    compiler_params=_sc_params,
    scratch_types=[
        pltpu.VMEM((KCH, B), jnp.int32),
        pltpu.VMEM((B,), jnp.float32),
        pltpu.VMEM((N,), jnp.float32),
        pltpu.VMEM_SHARED((N,), jnp.float32),
        pltpu.SemaphoreType.DMA,
    ],
)
def _sc_degree(ei_hbm, ones_hbm, zeros_hbm, out_hbm, cidx_v, ones_v, bounce_v,
               deg_sh, asem):
    c = lax.axis_index("c")
    s = lax.axis_index("s")
    w = c * NS + s

    @pl.when(s == 0)
    def _zero():
        pltpu.sync_copy(zeros_hbm, bounce_v)
        pltpu.sync_copy(bounce_v, deg_sh)

    pltpu.sync_copy(ones_hbm, ones_v)
    pltpu.sync_copy(ei_hbm.at[1, pl.ds(w * KCH, KCH)], cidx_v)
    plsc.subcore_barrier()

    def body(k, carry):
        pltpu.async_copy(ones_v, deg_sh.at[cidx_v.at[k]], asem, add=True)
        return carry

    lax.fori_loop(0, KCH, body, 0)
    pltpu.make_async_copy(zeros_hbm, bounce_v, asem).wait()
    plsc.subcore_barrier()

    @pl.when(s == 0)
    def _writeback():
        pltpu.sync_copy(deg_sh, bounce_v)
        pltpu.sync_copy(bounce_v, out_hbm.at[c])


@functools.partial(
    pl.kernel,
    out_type=jax.ShapeDtypeStruct((NC, N, F), jnp.float32),
    mesh=_mesh,
    compiler_params=_sc_params,
    scratch_types=[
        pltpu.VMEM((KCH, B), jnp.int32),
        pltpu.VMEM((KCH, B), jnp.int32),
        [pltpu.VMEM((B, F), jnp.float32)] * NBUF,
        pltpu.VMEM_SHARED((N, F), jnp.float32),
        [pltpu.SemaphoreType.DMA] * NBUF,
        [pltpu.SemaphoreType.DMA] * NBUF,
    ],
)
def _sc_scatter(ei_hbm, g_hbm, zeros_hbm, out_hbm,
                ridx_v, cidx_v, rows_v, acc_sh, gsem, ssem):
    c = lax.axis_index("c")
    s = lax.axis_index("s")
    w = c * NS + s

    pltpu.sync_copy(zeros_hbm, rows_v[0])
    pltpu.sync_copy(ei_hbm.at[0, pl.ds(w * KCH, KCH)], ridx_v)
    pltpu.sync_copy(ei_hbm.at[1, pl.ds(w * KCH, KCH)], cidx_v)
    for j in range(WB):
        pltpu.async_copy(rows_v[0], acc_sh.at[pl.ds(s * NPT + j * B, B)],
                         ssem[0])
    if WBR:
        pltpu.async_copy(rows_v[0].at[pl.ds(0, WBR)],
                         acc_sh.at[pl.ds(s * NPT + WB * B, WBR)], ssem[0])
    for j in range(WB):
        pltpu.make_async_copy(rows_v[0],
                              acc_sh.at[pl.ds(s * NPT + j * B, B)],
                              ssem[0]).wait()
    if WBR:
        pltpu.make_async_copy(rows_v[0].at[pl.ds(0, WBR)],
                              acc_sh.at[pl.ds(s * NPT + WB * B, WBR)],
                              ssem[0]).wait()
    plsc.subcore_barrier()

    for i in range(PF):
        pltpu.async_copy(g_hbm.at[ridx_v.at[i]], rows_v[i], gsem[i])

    def body(k0, carry):
        for phase in range(NBUF):
            k = k0 * NBUF + phase
            bi = phase % NBUF

            @pl.when(k < KCH)
            def _work():
                pltpu.make_async_copy(
                    g_hbm.at[ridx_v.at[k]], rows_v[bi], gsem[bi]).wait()
                pltpu.async_copy(rows_v[bi], acc_sh.at[cidx_v.at[k]],
                                 ssem[bi], add=True)

            bj = (phase + PF) % NBUF

            @pl.when(jnp.logical_and(k >= NBUF - PF, k + PF < KCH))
            def _drain_prev():
                pltpu.make_async_copy(
                    rows_v[bj], acc_sh.at[cidx_v.at[0]], ssem[bj]).wait()

            @pl.when(k + PF < KCH)
            def _prefetch():
                pltpu.async_copy(
                    g_hbm.at[ridx_v.at[k + PF]], rows_v[bj], gsem[bj])
        return carry

    lax.fori_loop(0, (KCH + NBUF - 1) // NBUF, body, 0)
    for bi in range(NBUF):
        pltpu.make_async_copy(rows_v[bi], acc_sh.at[cidx_v.at[0]],
                              ssem[bi]).wait()
    plsc.subcore_barrier()

    nwb = WB + (1 if WBR else 0)
    for j in range(nwb):
        bi = j % NBUF
        nrows = B if j < WB else WBR
        off = s * NPT + j * B
        src = rows_v[bi] if j < WB else rows_v[bi].at[pl.ds(0, WBR)]
        if j >= NBUF:
            poff = s * NPT + (j - NBUF) * B
            pltpu.make_async_copy(rows_v[bi], out_hbm.at[c, pl.ds(poff, B)],
                                  gsem[bi]).wait()
        pltpu.sync_copy(acc_sh.at[pl.ds(off, nrows)], src)
        pltpu.async_copy(src, out_hbm.at[c, pl.ds(off, nrows)], gsem[bi])
    for j in range(max(0, nwb - NBUF), nwb):
        bi = j % NBUF
        nrows = B if j < WB else WBR
        off = s * NPT + j * B
        src = rows_v[bi] if j < WB else rows_v[bi].at[pl.ds(0, WBR)]
        pltpu.make_async_copy(src, out_hbm.at[c, pl.ds(off, nrows)],
                              gsem[bi]).wait()


def _tc_linear_body(x_ref, w_ref, u_ref, h_ref):
    Wm = w_ref[...]
    uv = u_ref[...]
    v = jnp.dot(uv, Wm, preferred_element_type=jnp.float32)
    v = v / (jnp.sqrt(jnp.sum(v * v)) + 1e-12)
    wv = jnp.dot(v, Wm.T, preferred_element_type=jnp.float32)
    u2 = wv / (jnp.sqrt(jnp.sum(wv * wv)) + 1e-12)
    sigma = jnp.sum(u2 * wv)
    h_ref[...] = jnp.dot(x_ref[...], Wm,
                         preferred_element_type=jnp.float32) / sigma


def _tc_scale_body(h_ref, degp_ref, g_ref):
    deg = degp_ref[:, 0:1] + degp_ref[:, 1:2] + 1.0
    g_ref[...] = h_ref[...] * lax.rsqrt(deg)


def _tc_combine_body(acc_ref, g_ref, degp_ref, b_ref, a_ref, out_ref):
    total = acc_ref[0] + acc_ref[1] + g_ref[...]
    deg = degp_ref[:, 0:1] + degp_ref[:, 1:2] + 1.0
    o = total * lax.rsqrt(deg) + b_ref[...]
    a = a_ref[0, 0]
    out_ref[...] = jnp.where(o >= 0, o, a * o)


def kernel(x, edge_index, W, b, prelu_a, u):
    ei3 = edge_index.astype(jnp.int32).reshape(2, E // B, B)

    ones_b = jnp.ones((B,), jnp.float32)
    zeros_n = jnp.zeros((N,), jnp.float32)
    zeros_zr = jnp.zeros((B, F), jnp.float32)

    deg_p = _sc_degree(ei3, ones_b, zeros_n)
    degp_t = deg_p.T

    R = 2000
    grid = (N // R,)
    h = pl.pallas_call(
        _tc_linear_body,
        grid=grid,
        in_specs=[
            pl.BlockSpec((R, F), lambda i: (i, 0)),
            pl.BlockSpec((F, F), lambda i: (0, 0)),
            pl.BlockSpec((1, F), lambda i: (0, 0)),
        ],
        out_specs=pl.BlockSpec((R, F), lambda i: (i, 0)),
        out_shape=jax.ShapeDtypeStruct((N, F), jnp.float32),
    )(x, W, u.reshape(1, F))

    g = pl.pallas_call(
        _tc_scale_body,
        grid=grid,
        in_specs=[
            pl.BlockSpec((R, F), lambda i: (i, 0)),
            pl.BlockSpec((R, 2), lambda i: (i, 0)),
        ],
        out_specs=pl.BlockSpec((R, F), lambda i: (i, 0)),
        out_shape=jax.ShapeDtypeStruct((N, F), jnp.float32),
    )(h, degp_t)

    acc = _sc_scatter(ei3, g, zeros_zr)

    out = pl.pallas_call(
        _tc_combine_body,
        grid=grid,
        in_specs=[
            pl.BlockSpec((NC, R, F), lambda i: (0, i, 0)),
            pl.BlockSpec((R, F), lambda i: (i, 0)),
            pl.BlockSpec((R, 2), lambda i: (i, 0)),
            pl.BlockSpec((1, F), lambda i: (0, 0)),
            pl.BlockSpec((1, 1), lambda i: (0, 0)),
        ],
        out_specs=pl.BlockSpec((R, F), lambda i: (i, 0)),
        out_shape=jax.ShapeDtypeStruct((N, F), jnp.float32),
    )(acc, g, degp_t, b.reshape(1, F), prelu_a.reshape(1, 1))
    return out

# --- scband reference (transcript-rebuilt; emitter-appended) ---
"""Pipeline reference for scband-encoder-dgi-5385888989905 (READ-ONLY COPY).

The authoritative reference and input builder live on the scoring server;
editing this copy changes nothing except your own understanding.
"""

import jax, jax.numpy as jnp
import numpy as np

N_NODES = 10000
N_EDGES = 320000
NFEAT = 128
NHID = 128


def spectral_normalize(W, u, eps=1e-12):
    # one power iteration (PyTorch spectral_norm default n_power_iterations=1)
    v = W.T @ u
    v = v / (jnp.linalg.norm(v) + eps)
    u2 = W @ v
    u2 = u2 / (jnp.linalg.norm(u2) + eps)
    u2 = jax.lax.stop_gradient(u2)
    v = jax.lax.stop_gradient(v)
    sigma = u2 @ W @ v
    return W / sigma


def setup_inputs(seed: int = 0) -> dict:
    key = jax.random.key(seed)
    k1, k2, k3, k4 = jax.random.split(key, 4)
    x = jax.random.normal(k1, (N_NODES, NFEAT), dtype=jnp.float32)
    edge_index = jax.random.randint(k2, (2, N_EDGES), 0, N_NODES, dtype=jnp.int64) if jax.config.jax_enable_x64 else jax.random.randint(k2, (2, N_EDGES), 0, N_NODES).astype(jnp.int32)
    # GCNConv weight [in, out], glorot init
    limit = float(np.sqrt(6.0 / (NFEAT + NHID)))
    W = jax.random.uniform(k3, (NFEAT, NHID), minval=-limit, maxval=limit, dtype=jnp.float32)
    b = jnp.zeros((NHID,), dtype=jnp.float32)
    prelu_a = jnp.full((1,), 0.25, dtype=jnp.float32)
    u = jax.random.normal(k4, (NFEAT,), dtype=jnp.float32)
    u = u / (jnp.linalg.norm(u) + 1e-12)
    return {"x": x, "edge_index": edge_index, "W": W, "b": b, "prelu_a": prelu_a, "u": u}


def reference(x, edge_index, W, b, prelu_a, u):
    N = x.shape[0]
    W_sn = spectral_normalize(W, u)
    # GCNConv: add self-loops, symmetric normalization
    loop = jnp.arange(N, dtype=edge_index.dtype)
    row = jnp.concatenate([edge_index[0], loop])
    col = jnp.concatenate([edge_index[1], loop])
    ew = jnp.ones(row.shape[0], dtype=x.dtype)
    deg = jnp.zeros((N,), dtype=x.dtype).at[col].add(ew)
    deg_inv_sqrt = jnp.where(deg > 0, 1.0 / jnp.sqrt(jnp.where(deg > 0, deg, 1.0)), 0.0)
    norm = deg_inv_sqrt[row] * deg_inv_sqrt[col]
    h = x @ W_sn
    msg = h[row] * norm[:, None]
    out = jnp.zeros((N, h.shape[1]), dtype=x.dtype).at[col].add(msg)
    out = out + b
    # PReLU with single learned parameter
    out = jnp.where(out >= 0, out, prelu_a * out)
    return out

if __name__ == "__main__":
    import jax
    _d = setup_inputs()
    print(jax.jit(kernel)(*tuple(_d.values())))

</pallas_src>

<mosaic_0001>
#map = affine_map<(d0, d1) -> (0, 0, 0)>
#map1 = affine_map<(d0, d1) -> (0)>
#map2 = affine_map<(d0, d1) -> (0, 0)>
module attributes {stable_mosaic.version = 14 : i64} {
  func.func @_sc_degree(%arg0: i32, %arg1: i32, %arg2: memref<2x4000x80xi32, #tpu.memory_space<hbm>>, %arg3: memref<80xf32, #tpu.memory_space<hbm>>, %arg4: memref<10000xf32, #tpu.memory_space<hbm>>, %arg5: memref<2x10000xf32, #tpu.memory_space<hbm>>, %arg6: memref<125x80xi32, #tpu.memory_space<vmem>>, %arg7: memref<80xf32, #tpu.memory_space<vmem>>, %arg8: memref<10000xf32, #tpu.memory_space<vmem>>, %arg9: memref<10000xf32, #tpu.memory_space<vmem_shared>>, %arg10: memref<!tpu.dma_semaphore, #tpu.memory_space<semaphore_mem>>) attributes {dimension_semantics = [#tpu.dimension_semantics<core_parallel>, #tpu.dimension_semantics<subcore_parallel>], iteration_bounds = array<i64: 2, 16>, scalar_prefetch = 0 : i64, scratch_operands = 5 : i64, tpu.core_type = #tpu.core_type<sc_vector_subcore>, window_params = [{transform_indices = #map}, {transform_indices = #map1}, {transform_indices = #map1}, {transform_indices = #map2}]} {
    %mul3A = arith.constant 16 : i32
    %mul3A_0 = arith.muli %arg0, %mul3A : i32
    %add3A = arith.addi %mul3A_0, %arg1 : i32
    %eq3A = arith.constant 0 : i32
    %eq3A_1 = arith.cmpi eq, %arg1, %eq3A : i32
    %convert_element_type3A = arith.extui %eq3A_1 : i1 to i32
    %cond3A = arith.constant 0 : i32
    %cond3A_2 = arith.cmpi ne, %convert_element_type3A, %cond3A : i32
    scf.if %cond3A_2 {
      "tpu.region"() ({
        %run_scoped3A_16 = tpu.sem_alloc : memref<!tpu.dma_semaphore, #tpu.memory_space<semaphore_mem>>
        tpu.enqueue_dma source(%arg4 : memref<10000xf32, #tpu.memory_space<hbm>>) target(%arg8 : memref<10000xf32, #tpu.memory_space<vmem>>) target_semaphore(%run_scoped3A_16 : memref<!tpu.dma_semaphore, #tpu.memory_space<semaphore_mem>>)
        tpu.wait_dma2 semaphore(%run_scoped3A_16 : memref<!tpu.dma_semaphore, #tpu.memory_space<semaphore_mem>>) src(%arg4 : memref<10000xf32, #tpu.memory_space<hbm>>) dst(%arg8 : memref<10000xf32, #tpu.memory_space<vmem>>)
        tpu.yield
      }) : () -> ()
      "tpu.region"() ({
        %run_scoped3A_16 = tpu.sem_alloc : memref<!tpu.dma_semaphore, #tpu.memory_space<semaphore_mem>>
        tpu.enqueue_dma source(%arg8 : memref<10000xf32, #tpu.memory_space<vmem>>) target(%arg9 : memref<10000xf32, #tpu.memory_space<vmem_shared>>) target_semaphore(%run_scoped3A_16 : memref<!tpu.dma_semaphore, #tpu.memory_space<semaphore_mem>>)
        tpu.wait_dma2 semaphore(%run_scoped3A_16 : memref<!tpu.dma_semaphore, #tpu.memory_space<semaphore_mem>>) src(%arg8 : memref<10000xf32, #tpu.memory_space<vmem>>) dst(%arg9 : memref<10000xf32, #tpu.memory_space<vmem_shared>>)
        tpu.yield
      }) : () -> ()
    } else {
    }
    "tpu.region"() ({
      %run_scoped3A_16 = tpu.sem_alloc : memref<!tpu.dma_semaphore, #tpu.memory_space<semaphore_mem>>
      tpu.enqueue_dma source(%arg3 : memref<80xf32, #tpu.memory_space<hbm>>) target(%arg7 : memref<80xf32, #tpu.memory_space<vmem>>) target_semaphore(%run_scoped3A_16 : memref<!tpu.dma_semaphore, #tpu.memory_space<semaphore_mem>>)
      tpu.wait_dma2 semaphore(%run_scoped3A_16 : memref<!tpu.dma_semaphore, #tpu.memory_space<semaphore_mem>>) src(%arg3 : memref<80xf32, #tpu.memory_space<hbm>>) dst(%arg7 : memref<80xf32, #tpu.memory_space<vmem>>)
      tpu.yield
    }) : () -> ()
    %mul3A_3 = arith.constant 125 : i32
    %mul3A_4 = arith.muli %add3A, %mul3A_3 : i32
    %run_scoped3A = arith.constant 1 : i32
    "tpu.region"() ({
      %run_scoped3A_16 = tpu.sem_alloc : memref<!tpu.dma_semaphore, #tpu.memory_space<semaphore_mem>>
      %dma_start3A = arith.constant 0 : i32
      %dma_start3A_17 = tpu.memref_slice %arg2[%run_scoped3A, %mul3A_4, %dma_start3A] : memref<2x4000x80xi32, #tpu.memory_space<hbm>> -> memref<1x125x80xi32, #tpu.memory_space<hbm>>
      %dma_start3A_18 = tpu.memref_squeeze %dma_start3A_17 : memref<1x125x80xi32, #tpu.memory_space<hbm>> -> memref<125x80xi32, #tpu.memory_space<hbm>>
      %dma_start3A_19 = arith.constant 0 : i32
      %dma_start3A_20 = tpu.memref_slice %arg2[%run_scoped3A, %mul3A_4, %dma_start3A_19] : memref<2x4000x80xi32, #tpu.memory_space<hbm>> -> memref<1x125x80xi32, #tpu.memory_space<hbm>>
      %dma_start3A_21 = tpu.memref_squeeze %dma_start3A_20 : memref<1x125x80xi32, #tpu.memory_space<hbm>> -> memref<125x80xi32, #tpu.memory_space<hbm>>
      tpu.enqueue_dma source(%dma_start3A_21 : memref<125x80xi32, #tpu.memory_space<hbm>>) target(%arg6 : memref<125x80xi32, #tpu.memory_space<vmem>>) target_semaphore(%run_scoped3A_16 : memref<!tpu.dma_semaphore, #tpu.memory_space<semaphore_mem>>)
      %dma_wait3A = arith.constant 0 : i32
      %dma_wait3A_22 = tpu.memref_slice %arg2[%run_scoped3A, %mul3A_4, %dma_wait3A] : memref<2x4000x80xi32, #tpu.memory_space<hbm>> -> memref<1x125x80xi32, #tpu.memory_space<hbm>>
      %dma_wait3A_23 = tpu.memref_squeeze %dma_wait3A_22 : memref<1x125x80xi32, #tpu.memory_space<hbm>> -> memref<125x80xi32, #tpu.memory_space<hbm>>
      %dma_wait3A_24 = arith.constant 0 : i32
      %dma_wait3A_25 = tpu.memref_slice %arg2[%run_scoped3A, %mul3A_4, %dma_wait3A_24] : memref<2x4000x80xi32, #tpu.memory_space<hbm>> -> memref<1x125x80xi32, #tpu.memory_space<hbm>>
      %dma_wait3A_26 = tpu.memref_squeeze %dma_wait3A_25 : memref<1x125x80xi32, #tpu.memory_space<hbm>> -> memref<125x80xi32, #tpu.memory_space<hbm>>
      tpu.wait_dma2 semaphore(%run_scoped3A_16 : memref<!tpu.dma_semaphore, #tpu.memory_space<semaphore_mem>>) src(%dma_wait3A_26 : memref<125x80xi32, #tpu.memory_space<hbm>>) dst(%arg6 : memref<125x80xi32, #tpu.memory_space<vmem>>)
      tpu.yield
    }) : () -> ()
    %barrier3A = arith.constant 0 : index
    tpu.barrier barrier_id(%barrier3A)
    %scan3A = arith.constant 0 : i32
    %scan3A_5 = arith.constant 0 : i32
    %scan3A_6 = arith.constant 125 : i32
    %scan3A_7 = arith.addi %scan3A_5, %scan3A_6 : i32
    %scan3A_8 = arith.constant 1 : i32
    scf.for %scan3A_16 = %scan3A_5 to %scan3A_7 step %scan3A_8  : i32 {
      %dma_start3A = arith.constant 0 : i32
      %dma_start3A_17 = tpu.memref_slice %arg6[%scan3A_16, %dma_start3A] : memref<125x80xi32, #tpu.memory_space<vmem>> -> memref<1x80xi32, #tpu.memory_space<vmem>>
      %dma_start3A_18 = tpu.memref_squeeze %dma_start3A_17 : memref<1x80xi32, #tpu.memory_space<vmem>> -> memref<80xi32, #tpu.memory_space<vmem>>
      %dma_start3A_19 = arith.constant 0 : i32
      %dma_start3A_20 = tpu.memref_slice %arg9[%dma_start3A_19] : memref<10000xf32, #tpu.memory_space<vmem_shared>> -> memref<10000xf32, #tpu.memory_space<vmem_shared>>
      tpu.enqueue_indirect_dma source(%arg7 : memref<80xf32, #tpu.memory_space<vmem>>) target(%dma_start3A_20 : memref<10000xf32, #tpu.memory_space<vmem_shared>>) offsets(%dma_start3A_18 : memref<80xi32, #tpu.memory_space<vmem>>) semaphore(%arg10 : memref<!tpu.dma_semaphore, #tpu.memory_space<semaphore_mem>>) {add = true}
    }
    %scan3A_9 = arith.constant 125 : i32
    tpu.wait_dma2 semaphore(%arg10 : memref<!tpu.dma_semaphore, #tpu.memory_space<semaphore_mem>>) src(%arg4 : memref<10000xf32, #tpu.memory_space<hbm>>) dst(%arg8 : memref<10000xf32, #tpu.memory_space<vmem>>)
    %barrier3A_10 = arith.constant 0 : index
    tpu.barrier barrier_id(%barrier3A_10)
    %eq3A_11 = arith.constant 0 : i32
    %eq3A_12 = arith.cmpi eq, %arg1, %eq3A_11 : i32
    %convert_element_type3A_13 = arith.extui %eq3A_12 : i1 to i32
    %cond3A_14 = arith.constant 0 : i32
    %cond3A_15 = arith.cmpi ne, %convert_element_type3A_13, %cond3A_14 : i32
    scf.if %cond3A_15 {
      "tpu.region"() ({
        %run_scoped3A_16 = tpu.sem_alloc : memref<!tpu.dma_semaphore, #tpu.memory_space<semaphore_mem>>
        tpu.enqueue_dma source(%arg9 : memref<10000xf32, #tpu.memory_space<vmem_shared>>) target(%arg8 : memref<10000xf32, #tpu.memory_space<vmem>>) target_semaphore(%run_scoped3A_16 : memref<!tpu.dma_semaphore, #tpu.memory_space<semaphore_mem>>)
        tpu.wait_dma2 semaphore(%run_scoped3A_16 : memref<!tpu.dma_semaphore, #tpu.memory_space<semaphore_mem>>) src(%arg9 : memref<10000xf32, #tpu.memory_space<vmem_shared>>) dst(%arg8 : memref<10000xf32, #tpu.memory_space<vmem>>)
        tpu.yield
      }) : () -> ()
      "tpu.region"() ({
        %run_scoped3A_16 = tpu.sem_alloc : memref<!tpu.dma_semaphore, #tpu.memory_space<semaphore_mem>>
        %dma_start3A = arith.constant 0 : i32
        %dma_start3A_17 = tpu.memref_slice %arg5[%arg0, %dma_start3A] : memref<2x10000xf32, #tpu.memory_space<hbm>> -> memref<1x10000xf32, #tpu.memory_space<hbm>>
        %dma_start3A_18 = tpu.memref_squeeze %dma_start3A_17 : memref<1x10000xf32, #tpu.memory_space<hbm>> -> memref<10000xf32, #tpu.memory_space<hbm>>
        %dma_start3A_19 = arith.constant 0 : i32
        %dma_start3A_20 = tpu.memref_slice %arg5[%arg0, %dma_start3A_19] : memref<2x10000xf32, #tpu.memory_space<hbm>> -> memref<1x10000xf32, #tpu.memory_space<hbm>>
        %dma_start3A_21 = tpu.memref_squeeze %dma_start3A_20 : memref<1x10000xf32, #tpu.memory_space<hbm>> -> memref<10000xf32, #tpu.memory_space<hbm>>
        tpu.enqueue_dma source(%arg8 : memref<10000xf32, #tpu.memory_space<vmem>>) target(%dma_start3A_21 : memref<10000xf32, #tpu.memory_space<hbm>>) target_semaphore(%run_scoped3A_16 : memref<!tpu.dma_semaphore, #tpu.memory_space<semaphore_mem>>)
        %dma_wait3A = arith.constant 0 : i32
        %dma_wait3A_22 = tpu.memref_slice %arg5[%arg0, %dma_wait3A] : memref<2x10000xf32, #tpu.memory_space<hbm>> -> memref<1x10000xf32, #tpu.memory_space<hbm>>
        %dma_wait3A_23 = tpu.memref_squeeze %dma_wait3A_22 : memref<1x10000xf32, #tpu.memory_space<hbm>> -> memref<10000xf32, #tpu.memory_space<hbm>>
        %dma_wait3A_24 = arith.constant 0 : i32
        %dma_wait3A_25 = tpu.memref_slice %arg5[%arg0, %dma_wait3A_24] : memref<2x10000xf32, #tpu.memory_space<hbm>> -> memref<1x10000xf32, #tpu.memory_space<hbm>>
        %dma_wait3A_26 = tpu.memref_squeeze %dma_wait3A_25 : memref<1x10000xf32, #tpu.memory_space<hbm>> -> memref<10000xf32, #tpu.memory_space<hbm>>
        tpu.wait_dma2 semaphore(%run_scoped3A_16 : memref<!tpu.dma_semaphore, #tpu.memory_space<semaphore_mem>>) src(%arg8 : memref<10000xf32, #tpu.memory_space<vmem>>) dst(%dma_wait3A_26 : memref<10000xf32, #tpu.memory_space<hbm>>)
        tpu.yield
      }) : () -> ()
    } else {
    }
    return
  }
}

#map = affine_map<(d0, d1) -> (0, 0, 0)>
#map1 = affine_map<(d0, d1) -> (0, 0)>
module attributes {stable_mosaic.version = 14 : i64} {
  func.func @_sc_scatter(%arg0: i32, %arg1: i32, %arg2: memref<2x4000x80xi32, #tpu.memory_space<hbm>>, %arg3: memref<10000x128xf32, #tpu.memory_space<hbm>>, %arg4: memref<80x128xf32, #tpu.memory_space<hbm>>, %arg5: memref<2x10000x128xf32, #tpu.memory_space<hbm>>, %arg6: memref<125x80xi32, #tpu.memory_space<vmem>>, %arg7: memref<125x80xi32, #tpu.memory_space<vmem>>, %arg8: memref<80x128xf32, #tpu.memory_space<vmem>>, %arg9: memref<80x128xf32, #tpu.memory_space<vmem>>, %arg10: memref<80x128xf32, #tpu.memory_space<vmem>>, %arg11: memref<10000x128xf32, #tpu.memory_space<vmem_shared>>, %arg12: memref<!tpu.dma_semaphore, #tpu.memory_space<semaphore_mem>>, %arg13: memref<!tpu.dma_semaphore, #tpu.memory_space<semaphore_mem>>, %arg14: memref<!tpu.dma_semaphore, #tpu.memory_space<semaphore_mem>>, %arg15: memref<!tpu.dma_semaphore, #tpu.memory_space<semaphore_mem>>, %arg16: memref<!tpu.dma_semaphore, #tpu.memory_space<semaphore_mem>>, %arg17: memref<!tpu.dma_semaphore, #tpu.memory_space<semaphore_mem>>) attributes {dimension_semantics = [#tpu.dimension_semantics<core_parallel>, #tpu.dimension_semantics<subcore_parallel>], iteration_bounds = array<i64: 2, 16>, scalar_prefetch = 0 : i64, scratch_operands = 12 : i64, tpu.core_type = #tpu.core_type<sc_vector_subcore>, window_params = [{transform_indices = #map}, {transform_indices = #map1}, {transform_indices = #map1}, {transform_indices = #map}]} {
    %mul3A = arith.constant 16 : i32
    %mul3A_0 = arith.muli %arg0, %mul3A : i32
    %add3A = arith.addi %mul3A_0, %arg1 : i32
    "tpu.region"() ({
      %run_scoped3A_357 = tpu.sem_alloc : memref<!tpu.dma_semaphore, #tpu.memory_space<semaphore_mem>>
      tpu.enqueue_dma source(%arg4 : memref<80x128xf32, #tpu.memory_space<hbm>>) target(%arg8 : memref<80x128xf32, #tpu.memory_space<vmem>>) target_semaphore(%run_scoped3A_357 : memref<!tpu.dma_semaphore, #tpu.memory_space<semaphore_mem>>)
      tpu.wait_dma2 semaphore(%run_scoped3A_357 : memref<!tpu.dma_semaphore, #tpu.memory_space<semaphore_mem>>) src(%arg4 : memref<80x128xf32, #tpu.memory_space<hbm>>) dst(%arg8 : memref<80x128xf32, #tpu.memory_space<vmem>>)
      tpu.yield
    }) : () -> ()
    %mul3A_1 = arith.constant 125 : i32
    %mul3A_2 = arith.muli %add3A, %mul3A_1 : i32
    %run_scoped3A = arith.constant 0 : i32
    "tpu.region"() ({
      %run_scoped3A_357 = tpu.sem_alloc : memref<!tpu.dma_semaphore, #tpu.memory_space<semaphore_mem>>
      %dma_start3A_358 = arith.constant 0 : i32
      %dma_start3A_359 = tpu.memref_slice %arg2[%run_scoped3A, %mul3A_2, %dma_start3A_358] : memref<2x4000x80xi32, #tpu.memory_space<hbm>> -> memref<1x125x80xi32, #tpu.memory_space<hbm>>
      %dma_start3A_360 = tpu.memref_squeeze %dma_start3A_359 : memref<1x125x80xi32, #tpu.memory_space<hbm>> -> memref<125x80xi32, #tpu.memory_space<hbm>>
      %dma_start3A_361 = arith.constant 0 : i32
      %dma_start3A_362 = tpu.memref_slice %arg2[%run_scoped3A, %mul3A_2, %dma_start3A_361] : memref<2x4000x80xi32, #tpu.memory_space<hbm>> -> memref<1x125x80xi32, #tpu.memory_space<hbm>>
      %dma_start3A_363 = tpu.memref_squeeze %dma_start3A_362 : memref<1x125x80xi32, #tpu.memory_space<hbm>> -> memref<125x80xi32, #tpu.memory_space<hbm>>
      tpu.enqueue_dma source(%dma_start3A_363 : memref<125x80xi32, #tpu.memory_space<hbm>>) target(%arg6 : memref<125x80xi32, #tpu.memory_space<vmem>>) target_semaphore(%run_scoped3A_357 : memref<!tpu.dma_semaphore, #tpu.memory_space<semaphore_mem>>)
      %dma_wait3A_364 = arith.constant 0 : i32
      %dma_wait3A_365 = tpu.memref_slice %arg2[%run_scoped3A, %mul3A_2, %dma_wait3A_364] : memref<2x4000x80xi32, #tpu.memory_space<hbm>> -> memref<1x125x80xi32, #tpu.memory_space<hbm>>
      %dma_wait3A_366 = tpu.memref_squeeze %dma_wait3A_365 : memref<1x125x80xi32, #tpu.memory_space<hbm>> -> memref<125x80xi32, #tpu.memory_space<hbm>>
      %dma_wait3A_367 = arith.constant 0 : i32
      %dma_wait3A_368 = tpu.memref_slice %arg2[%run_scoped3A, %mul3A_2, %dma_wait3A_367] : memref<2x4000x80xi32, #tpu.memory_space<hbm>> -> memref<1x125x80xi32, #tpu.memory_space<hbm>>
      %dma_wait3A_369 = tpu.memref_squeeze %dma_wait3A_368 : memref<1x125x80xi32, #tpu.memory_space<hbm>> -> memref<125x80xi32, #tpu.memory_space<hbm>>
      tpu.wait_dma2 semaphore(%run_scoped3A_357 : memref<!tpu.dma_semaphore, #tpu.memory_space<semaphore_mem>>) src(%dma_wait3A_369 : memref<125x80xi32, #tpu.memory_space<hbm>>) dst(%arg6 : memref<125x80xi32, #tpu.memory_space<vmem>>)
      tpu.yield
    }) : () -> ()
    %mul3A_3 = arith.constant 125 : i32
    %mul3A_4 = arith.muli %add3A, %mul3A_3 : i32
    %run_scoped3A_5 = arith.constant 1 : i32
    "tpu.region"() ({
      %run_scoped3A_357 = tpu.sem_alloc : memref<!tpu.dma_semaphore, #tpu.memory_space<semaphore_mem>>
      %dma_start3A_358 = arith.constant 0 : i32
      %dma_start3A_359 = tpu.memref_slice %arg2[%run_scoped3A_5, %mul3A_4, %dma_start3A_358] : memref<2x4000x80xi32, #tpu.memory_space<hbm>> -> memref<1x125x80xi32, #tpu.memory_space<hbm>>
      %dma_start3A_360 = tpu.memref_squeeze %dma_start3A_359 : memref<1x125x80xi32, #tpu.memory_space<hbm>> -> memref<125x80xi32, #tpu.memory_space<hbm>>
      %dma_start3A_361 = arith.constant 0 : i32
      %dma_start3A_362 = tpu.memref_slice %arg2[%run_scoped3A_5, %mul3A_4, %dma_start3A_361] : memref<2x4000x80xi32, #tpu.memory_space<hbm>> -> memref<1x125x80xi32, #tpu.memory_space<hbm>>
      %dma_start3A_363 = tpu.memref_squeeze %dma_start3A_362 : memref<1x125x80xi32, #tpu.memory_space<hbm>> -> memref<125x80xi32, #tpu.memory_space<hbm>>
      tpu.enqueue_dma source(%dma_start3A_363 : memref<125x80xi32, #tpu.memory_space<hbm>>) target(%arg7 : memref<125x80xi32, #tpu.memory_space<vmem>>) target_semaphore(%run_scoped3A_357 : memref<!tpu.dma_semaphore, #tpu.memory_space<semaphore_mem>>)
      %dma_wait3A_364 = arith.constant 0 : i32
      %dma_wait3A_365 = tpu.memref_slice %arg2[%run_scoped3A_5, %mul3A_4, %dma_wait3A_364] : memref<2x4000x80xi32, #tpu.memory_space<hbm>> -> memref<1x125x80xi32, #tpu.memory_space<hbm>>
      %dma_wait3A_366 = tpu.memref_squeeze %dma_wait3A_365 : memref<1x125x80xi32, #tpu.memory_space<hbm>> -> memref<125x80xi32, #tpu.memory_space<hbm>>
      %dma_wait3A_367 = arith.constant 0 : i32
      %dma_wait3A_368 = tpu.memref_slice %arg2[%run_scoped3A_5, %mul3A_4, %dma_wait3A_367] : memref<2x4000x80xi32, #tpu.memory_space<hbm>> -> memref<1x125x80xi32, #tpu.memory_space<hbm>>
      %dma_wait3A_369 = tpu.memref_squeeze %dma_wait3A_368 : memref<1x125x80xi32, #tpu.memory_space<hbm>> -> memref<125x80xi32, #tpu.memory_space<hbm>>
      tpu.wait_dma2 semaphore(%run_scoped3A_357 : memref<!tpu.dma_semaphore, #tpu.memory_space<semaphore_mem>>) src(%dma_wait3A_369 : memref<125x80xi32, #tpu.memory_space<hbm>>) dst(%arg7 : memref<125x80xi32, #tpu.memory_space<vmem>>)
      tpu.yield
    }) : () -> ()
    %mul3A_6 = arith.constant 625 : i32
    %mul3A_7 = arith.muli %arg1, %mul3A_6 : i32
    %add3A_8 = arith.constant 0 : i32
    %add3A_9 = arith.addi %mul3A_7, %add3A_8 : i32
    %dma_start3A = arith.constant 0 : i32
    %dma_start3A_10 = tpu.memref_slice %arg11[%add3A_9, %dma_start3A] : memref<10000x128xf32, #tpu.memory_space<vmem_shared>> -> memref<80x128xf32, #tpu.memory_space<vmem_shared>>
    %dma_start3A_11 = arith.constant 0 : i32
    %dma_start3A_12 = tpu.memref_slice %arg11[%add3A_9, %dma_start3A_11] : memref<10000x128xf32, #tpu.memory_space<vmem_shared>> -> memref<80x128xf32, #tpu.memory_space<vmem_shared>>
    tpu.enqueue_dma source(%arg8 : memref<80x128xf32, #tpu.memory_space<vmem>>) target(%dma_start3A_12 : memref<80x128xf32, #tpu.memory_space<vmem_shared>>) target_semaphore(%arg15 : memref<!tpu.dma_semaphore, #tpu.memory_space<semaphore_mem>>)
    %mul3A_13 = arith.constant 625 : i32
    %mul3A_14 = arith.muli %arg1, %mul3A_13 : i32
    %add3A_15 = arith.constant 80 : i32
    %add3A_16 = arith.addi %mul3A_14, %add3A_15 : i32
    %dma_start3A_17 = arith.constant 0 : i32
    %dma_start3A_18 = tpu.memref_slice %arg11[%add3A_16, %dma_start3A_17] : memref<10000x128xf32, #tpu.memory_space<vmem_shared>> -> memref<80x128xf32, #tpu.memory_space<vmem_shared>>
    %dma_start3A_19 = arith.constant 0 : i32
    %dma_start3A_20 = tpu.memref_slice %arg11[%add3A_16, %dma_start3A_19] : memref<10000x128xf32, #tpu.memory_space<vmem_shared>> -> memref<80x128xf32, #tpu.memory_space<vmem_shared>>
    tpu.enqueue_dma source(%arg8 : memref<80x128xf32, #tpu.memory_space<vmem>>) target(%dma_start3A_20 : memref<80x128xf32, #tpu.memory_space<vmem_shared>>) target_semaphore(%arg15 : memref<!tpu.dma_semaphore, #tpu.memory_space<semaphore_mem>>)
    %mul3A_21 = arith.constant 625 : i32
    %mul3A_22 = arith.muli %arg1, %mul3A_21 : i32
    %add3A_23 = arith.constant 160 : i32
    %add3A_24 = arith.addi %mul3A_22, %add3A_23 : i32
    %dma_start3A_25 = arith.constant 0 : i32
    %dma_start3A_26 = tpu.memref_slice %arg11[%add3A_24, %dma_start3A_25] : memref<10000x128xf32, #tpu.memory_space<vmem_shared>> -> memref<80x128xf32, #tpu.memory_space<vmem_shared>>
    %dma_start3A_27 = arith.constant 0 : i32
    %dma_start3A_28 = tpu.memref_slice %arg11[%add3A_24, %dma_start3A_27] : memref<10000x128xf32, #tpu.memory_space<vmem_shared>> -> memref<80x128xf32, #tpu.memory_space<vmem_shared>>
    tpu.enqueue_dma source(%arg8 : memref<80x128xf32, #tpu.memory_space<vmem>>) target(%dma_start3A_28 : memref<80x128xf32, #tpu.memory_space<vmem_shared>>) target_semaphore(%arg15 : memref<!tpu.dma_semaphore, #tpu.memory_space<semaphore_mem>>)
    %mul3A_29 = arith.constant 625 : i32
    %mul3A_30 = arith.muli %arg1, %mul3A_29 : i32
    %add3A_31 = arith.constant 240 : i32
    %add3A_32 = arith.addi %mul3A_30, %add3A_31 : i32
    %dma_start3A_33 = arith.constant 0 : i32
    %dma_start3A_34 = tpu.memref_slice %arg11[%add3A_32, %dma_start3A_33] : memref<10000x128xf32, #tpu.memory_space<vmem_shared>> -> memref<80x128xf32, #tpu.memory_space<vmem_shared>>
    %dma_start3A_35 = arith.constant 0 : i32
    %dma_start3A_36 = tpu.memref_slice %arg11[%add3A_32, %dma_start3A_35] : memref<10000x128xf32, #tpu.memory_space<vmem_shared>> -> memref<80x128xf32, #tpu.memory_space<vmem_shared>>
    tpu.enqueue_dma source(%arg8 : memref<80x128xf32, #tpu.memory_space<vmem>>) target(%dma_start3A_36 : memref<80x128xf32, #tpu.memory_space<vmem_shared>>) target_semaphore(%arg15 : memref<!tpu.dma_semaphore, #tpu.memory_space<semaphore_mem>>)
    %mul3A_37 = arith.constant 625 : i32
    %mul3A_38 = arith.muli %arg1, %mul3A_37 : i32
    %add3A_39 = arith.constant 320 : i32
    %add3A_40 = arith.addi %mul3A_38, %add3A_39 : i32
    %dma_start3A_41 = arith.constant 0 : i32
    %dma_start3A_42 = tpu.memref_slice %arg11[%add3A_40, %dma_start3A_41] : memref<10000x128xf32, #tpu.memory_space<vmem_shared>> -> memref<80x128xf32, #tpu.memory_space<vmem_shared>>
    %dma_start3A_43 = arith.constant 0 : i32
    %dma_start3A_44 = tpu.memref_slice %arg11[%add3A_40, %dma_start3A_43] : memref<10000x128xf32, #tpu.memory_space<vmem_shared>> -> memref<80x128xf32, #tpu.memory_space<vmem_shared>>
    tpu.enqueue_dma source(%arg8 : memref<80x128xf32, #tpu.memory_space<vmem>>) target(%dma_start3A_44 : memref<80x128xf32, #tpu.memory_space<vmem_shared>>) target_semaphore(%arg15 : memref<!tpu.dma_semaphore, #tpu.memory_space<semaphore_mem>>)
    %mul3A_45 = arith.constant 625 : i32
    %mul3A_46 = arith.muli %arg1, %mul3A_45 : i32
    %add3A_47 = arith.constant 400 : i32
    %add3A_48 = arith.addi %mul3A_46, %add3A_47 : i32
    %dma_start3A_49 = arith.constant 0 : i32
    %dma_start3A_50 = tpu.memref_slice %arg11[%add3A_48, %dma_start3A_49] : memref<10000x128xf32, #tpu.memory_space<vmem_shared>> -> memref<80x128xf32, #tpu.memory_space<vmem_shared>>
    %dma_start3A_51 = arith.constant 0 : i32
    %dma_start3A_52 = tpu.memref_slice %arg11[%add3A_48, %dma_start3A_51] : memref<10000x128xf32, #tpu.memory_space<vmem_shared>> -> memref<80x128xf32, #tpu.memory_space<vmem_shared>>
    tpu.enqueue_dma source(%arg8 : memref<80x128xf32, #tpu.memory_space<vmem>>) target(%dma_start3A_52 : memref<80x128xf32, #tpu.memory_space<vmem_shared>>) target_semaphore(%arg15 : memref<!tpu.dma_semaphore, #tpu.memory_space<semaphore_mem>>)
    %mul3A_53 = arith.constant 625 : i32
    %mul3A_54 = arith.muli %arg1, %mul3A_53 : i32
    %add3A_55 = arith.constant 480 : i32
    %add3A_56 = arith.addi %mul3A_54, %add3A_55 : i32
    %dma_start3A_57 = arith.constant 0 : i32
    %dma_start3A_58 = tpu.memref_slice %arg11[%add3A_56, %dma_start3A_57] : memref<10000x128xf32, #tpu.memory_space<vmem_shared>> -> memref<80x128xf32, #tpu.memory_space<vmem_shared>>
    %dma_start3A_59 = arith.constant 0 : i32
    %dma_start3A_60 = tpu.memref_slice %arg11[%add3A_56, %dma_start3A_59] : memref<10000x128xf32, #tpu.memory_space<vmem_shared>> -> memref<80x128xf32, #tpu.memory_space<vmem_shared>>
    tpu.enqueue_dma source(%arg8 : memref<80x128xf32, #tpu.memory_space<vmem>>) target(%dma_start3A_60 : memref<80x128xf32, #tpu.memory_space<vmem_shared>>) target_semaphore(%arg15 : memref<!tpu.dma_semaphore, #tpu.memory_space<semaphore_mem>>)
    %mul3A_61 = arith.constant 625 : i32
    %mul3A_62 = arith.muli %arg1, %mul3A_61 : i32
    %add3A_63 = arith.constant 560 : i32
    %add3A_64 = arith.addi %mul3A_62, %add3A_63 : i32
    %dma_start3A_65 = arith.constant 0 : i32
    %dma_start3A_66 = arith.constant 0 : i32
    %dma_start3A_67 = tpu.memref_slice %arg8[%dma_start3A_65, %dma_start3A_66] : memref<80x128xf32, #tpu.memory_space<vmem>> -> memref<65x128xf32, #tpu.memory_space<vmem>>
    %dma_start3A_68 = arith.constant 0 : i32
    %dma_start3A_69 = tpu.memref_slice %arg11[%add3A_64, %dma_start3A_68] : memref<10000x128xf32, #tpu.memory_space<vmem_shared>> -> memref<65x128xf32, #tpu.memory_space<vmem_shared>>
    %dma_start3A_70 = arith.constant 0 : i32
    %dma_start3A_71 = tpu.memref_slice %arg11[%add3A_64, %dma_start3A_70] : memref<10000x128xf32, #tpu.memory_space<vmem_shared>> -> memref<65x128xf32, #tpu.memory_space<vmem_shared>>
    %dma_start3A_72 = arith.constant 0 : i32
    %dma_start3A_73 = arith.constant 0 : i32
    %dma_start3A_74 = tpu.memref_slice %arg8[%dma_start3A_72, %dma_start3A_73] : memref<80x128xf32, #tpu.memory_space<vmem>> -> memref<65x128xf32, #tpu.memory_space<vmem>>
    tpu.enqueue_dma source(%dma_start3A_74 : memref<65x128xf32, #tpu.memory_space<vmem>>) target(%dma_start3A_71 : memref<65x128xf32, #tpu.memory_space<vmem_shared>>) target_semaphore(%arg15 : memref<!tpu.dma_semaphore, #tpu.memory_space<semaphore_mem>>)
    %mul3A_75 = arith.constant 625 : i32
    %mul3A_76 = arith.muli %arg1, %mul3A_75 : i32
    %add3A_77 = arith.constant 0 : i32
    %add3A_78 = arith.addi %mul3A_76, %add3A_77 : i32
    %dma_wait3A = arith.constant 0 : i32
    %dma_wait3A_79 = tpu.memref_slice %arg11[%add3A_78, %dma_wait3A] : memref<10000x128xf32, #tpu.memory_space<vmem_shared>> -> memref<80x128xf32, #tpu.memory_space<vmem_shared>>
    %dma_wait3A_80 = arith.constant 0 : i32
    %dma_wait3A_81 = tpu.memref_slice %arg11[%add3A_78, %dma_wait3A_80] : memref<10000x128xf32, #tpu.memory_space<vmem_shared>> -> memref<80x128xf32, #tpu.memory_space<vmem_shared>>
    tpu.wait_dma2 semaphore(%arg15 : memref<!tpu.dma_semaphore, #tpu.memory_space<semaphore_mem>>) src(%arg8 : memref<80x128xf32, #tpu.memory_space<vmem>>) dst(%dma_wait3A_81 : memref<80x128xf32, #tpu.memory_space<vmem_shared>>)
    %mul3A_82 = arith.constant 625 : i32
    %mul3A_83 = arith.muli %arg1, %mul3A_82 : i32
    %add3A_84 = arith.constant 80 : i32
    %add3A_85 = arith.addi %mul3A_83, %add3A_84 : i32
    %dma_wait3A_86 = arith.constant 0 : i32
    %dma_wait3A_87 = tpu.memref_slice %arg11[%add3A_85, %dma_wait3A_86] : memref<10000x128xf32, #tpu.memory_space<vmem_shared>> -> memref<80x128xf32, #tpu.memory_space<vmem_shared>>
    %dma_wait3A_88 = arith.constant 0 : i32
    %dma_wait3A_89 = tpu.memref_slice %arg11[%add3A_85, %dma_wait3A_88] : memref<10000x128xf32, #tpu.memory_space<vmem_shared>> -> memref<80x128xf32, #tpu.memory_space<vmem_shared>>
    tpu.wait_dma2 semaphore(%arg15 : memref<!tpu.dma_semaphore, #tpu.memory_space<semaphore_mem>>) src(%arg8 : memref<80x128xf32, #tpu.memory_space<vmem>>) dst(%dma_wait3A_89 : memref<80x128xf32, #tpu.memory_space<vmem_shared>>)
    %mul3A_90 = arith.constant 625 : i32
    %mul3A_91 = arith.muli %arg1, %mul3A_90 : i32
    %add3A_92 = arith.constant 160 : i32
    %add3A_93 = arith.addi %mul3A_91, %add3A_92 : i32
    %dma_wait3A_94 = arith.constant 0 : i32
    %dma_wait3A_95 = tpu.memref_slice %arg11[%add3A_93, %dma_wait3A_94] : memref<10000x128xf32, #tpu.memory_space<vmem_shared>> -> memref<80x128xf32, #tpu.memory_space<vmem_shared>>
    %dma_wait3A_96 = arith.constant 0 : i32
    %dma_wait3A_97 = tpu.memref_slice %arg11[%add3A_93, %dma_wait3A_96] : memref<10000x128xf32, #tpu.memory_space<vmem_shared>> -> memref<80x128xf32, #tpu.memory_space<vmem_shared>>
    tpu.wait_dma2 semaphore(%arg15 : memref<!tpu.dma_semaphore, #tpu.memory_space<semaphore_mem>>) src(%arg8 : memref<80x128xf32, #tpu.memory_space<vmem>>) dst(%dma_wait3A_97 : memref<80x128xf32, #tpu.memory_space<vmem_shared>>)
    %mul3A_98 = arith.constant 625 : i32
    %mul3A_99 = arith.muli %arg1, %mul3A_98 : i32
    %add3A_100 = arith.constant 240 : i32
    %add3A_101 = arith.addi %mul3A_99, %add3A_100 : i32
    %dma_wait3A_102 = arith.constant 0 : i32
    %dma_wait3A_103 = tpu.memref_slice %arg11[%add3A_101, %dma_wait3A_102] : memref<10000x128xf32, #tpu.memory_space<vmem_shared>> -> memref<80x128xf32, #tpu.memory_space<vmem_shared>>
    %dma_wait3A_104 = arith.constant 0 : i32
    %dma_wait3A_105 = tpu.memref_slice %arg11[%add3A_101, %dma_wait3A_104] : memref<10000x128xf32, #tpu.memory_space<vmem_shared>> -> memref<80x128xf32, #tpu.memory_space<vmem_shared>>
    tpu.wait_dma2 semaphore(%arg15 : memref<!tpu.dma_semaphore, #tpu.memory_space<semaphore_mem>>) src(%arg8 : memref<80x128xf32, #tpu.memory_space<vmem>>) dst(%dma_wait3A_105 : memref<80x128xf32, #tpu.memory_space<vmem_shared>>)
    %mul3A_106 = arith.constant 625 : i32
    %mul3A_107 = arith.muli %arg1, %mul3A_106 : i32
    %add3A_108 = arith.constant 320 : i32
    %add3A_109 = arith.addi %mul3A_107, %add3A_108 : i32
    %dma_wait3A_110 = arith.constant 0 : i32
    %dma_wait3A_111 = tpu.memref_slice %arg11[%add3A_109, %dma_wait3A_110] : memref<10000x128xf32, #tpu.memory_space<vmem_shared>> -> memref<80x128xf32, #tpu.memory_space<vmem_shared>>
    %dma_wait3A_112 = arith.constant 0 : i32
    %dma_wait3A_113 = tpu.memref_slice %arg11[%add3A_109, %dma_wait3A_112] : memref<10000x128xf32, #tpu.memory_space<vmem_shared>> -> memref<80x128xf32, #tpu.memory_space<vmem_shared>>
    tpu.wait_dma2 semaphore(%arg15 : memref<!tpu.dma_semaphore, #tpu.memory_space<semaphore_mem>>) src(%arg8 : memref<80x128xf32, #tpu.memory_space<vmem>>) dst(%dma_wait3A_113 : memref<80x128xf32, #tpu.memory_space<vmem_shared>>)
    %mul3A_114 = arith.constant 625 : i32
    %mul3A_115 = arith.muli %arg1, %mul3A_114 : i32
    %add3A_116 = arith.constant 400 : i32
    %add3A_117 = arith.addi %mul3A_115, %add3A_116 : i32
    %dma_wait3A_118 = arith.constant 0 : i32
    %dma_wait3A_119 = tpu.memref_slice %arg11[%add3A_117, %dma_wait3A_118] : memref<10000x128xf32, #tpu.memory_space<vmem_shared>> -> memref<80x128xf32, #tpu.memory_space<vmem_shared>>
    %dma_wait3A_120 = arith.constant 0 : i32
    %dma_wait3A_121 = tpu.memref_slice %arg11[%add3A_117, %dma_wait3A_120] : memref<10000x128xf32, #tpu.memory_space<vmem_shared>> -> memref<80x128xf32, #tpu.memory_space<vmem_shared>>
    tpu.wait_dma2 semaphore(%arg15 : memref<!tpu.dma_semaphore, #tpu.memory_space<semaphore_mem>>) src(%arg8 : memref<80x128xf32, #tpu.memory_space<vmem>>) dst(%dma_wait3A_121 : memref<80x128xf32, #tpu.memory_space<vmem_shared>>)
    %mul3A_122 = arith.constant 625 : i32
    %mul3A_123 = arith.muli %arg1, %mul3A_122 : i32
    %add3A_124 = arith.constant 480 : i32
    %add3A_125 = arith.addi %mul3A_123, %add3A_124 : i32
    %dma_wait3A_126 = arith.constant 0 : i32
    %dma_wait3A_127 = tpu.memref_slice %arg11[%add3A_125, %dma_wait3A_126] : memref<10000x128xf32, #tpu.memory_space<vmem_shared>> -> memref<80x128xf32, #tpu.memory_space<vmem_shared>>
    %dma_wait3A_128 = arith.constant 0 : i32
    %dma_wait3A_129 = tpu.memref_slice %arg11[%add3A_125, %dma_wait3A_128] : memref<10000x128xf32, #tpu.memory_space<vmem_shared>> -> memref<80x128xf32, #tpu.memory_space<vmem_shared>>
    tpu.wait_dma2 semaphore(%arg15 : memref<!tpu.dma_semaphore, #tpu.memory_space<semaphore_mem>>) src(%arg8 : memref<80x128xf32, #tpu.memory_space<vmem>>) dst(%dma_wait3A_129 : memref<80x128xf32, #tpu.memory_space<vmem_shared>>)
    %mul3A_130 = arith.constant 625 : i32
    %mul3A_131 = arith.muli %arg1, %mul3A_130 : i32
    %add3A_132 = arith.constant 560 : i32
    %add3A_133 = arith.addi %mul3A_131, %add3A_132 : i32
    %dma_wait3A_134 = arith.constant 0 : i32
    %dma_wait3A_135 = arith.constant 0 : i32
    %dma_wait3A_136 = tpu.memref_slice %arg8[%dma_wait3A_134, %dma_wait3A_135] : memref<80x128xf32, #tpu.memory_space<vmem>> -> memref<65x128xf32, #tpu.memory_space<vmem>>
    %dma_wait3A_137 = arith.constant 0 : i32
    %dma_wait3A_138 = tpu.memref_slice %arg11[%add3A_133, %dma_wait3A_137] : memref<10000x128xf32, #tpu.memory_space<vmem_shared>> -> memref<65x128xf32, #tpu.memory_space<vmem_shared>>
    %dma_wait3A_139 = arith.constant 0 : i32
    %dma_wait3A_140 = tpu.memref_slice %arg11[%add3A_133, %dma_wait3A_139] : memref<10000x128xf32, #tpu.memory_space<vmem_shared>> -> memref<65x128xf32, #tpu.memory_space<vmem_shared>>
    %dma_wait3A_141 = arith.constant 0 : i32
    %dma_wait3A_142 = arith.constant 0 : i32
    %dma_wait3A_143 = tpu.memref_slice %arg8[%dma_wait3A_141, %dma_wait3A_142] : memref<80x128xf32, #tpu.memory_space<vmem>> -> memref<65x128xf32, #tpu.memory_space<vmem>>
    tpu.wait_dma2 semaphore(%arg15 : memref<!tpu.dma_semaphore, #tpu.memory_space<semaphore_mem>>) src(%dma_wait3A_143 : memref<65x128xf32, #tpu.memory_space<vmem>>) dst(%dma_wait3A_140 : memref<65x128xf32, #tpu.memory_space<vmem_shared>>)
    %barrier3A = arith.constant 0 : index
    tpu.barrier barrier_id(%barrier3A)
    %dma_start3A_144 = arith.constant 0 : i32
    %dma_start3A_145 = arith.constant 0 : i32
    %dma_start3A_146 = tpu.memref_slice %arg6[%dma_start3A_144, %dma_start3A_145] : memref<125x80xi32, #tpu.memory_space<vmem>> -> memref<1x80xi32, #tpu.memory_space<vmem>>
    %dma_start3A_147 = tpu.memref_squeeze %dma_start3A_146 : memref<1x80xi32, #tpu.memory_space<vmem>> -> memref<80xi32, #tpu.memory_space<vmem>>
    %dma_start3A_148 = arith.constant 0 : i32
    %dma_start3A_149 = arith.constant 0 : i32
    %dma_start3A_150 = tpu.memref_slice %arg3[%dma_start3A_148, %dma_start3A_149] : memref<10000x128xf32, #tpu.memory_space<hbm>> -> memref<10000x128xf32, #tpu.memory_space<hbm>>
    tpu.enqueue_indirect_dma source(%dma_start3A_150 : memref<10000x128xf32, #tpu.memory_space<hbm>>) target(%arg8 : memref<80x128xf32, #tpu.memory_space<vmem>>) offsets(%dma_start3A_147 : memref<80xi32, #tpu.memory_space<vmem>>) semaphore(%arg12 : memref<!tpu.dma_semaphore, #tpu.memory_space<semaphore_mem>>)
    %dma_start3A_151 = arith.constant 1 : i32
    %dma_start3A_152 = arith.constant 0 : i32
    %dma_start3A_153 = tpu.memref_slice %arg6[%dma_start3A_151, %dma_start3A_152] : memref<125x80xi32, #tpu.memory_space<vmem>> -> memref<1x80xi32, #tpu.memory_space<vmem>>
    %dma_start3A_154 = tpu.memref_squeeze %dma_start3A_153 : memref<1x80xi32, #tpu.memory_space<vmem>> -> memref<80xi32, #tpu.memory_space<vmem>>
    %dma_start3A_155 = arith.constant 0 : i32
    %dma_start3A_156 = arith.constant 0 : i32
    %dma_start3A_157 = tpu.memref_slice %arg3[%dma_start3A_155, %dma_start3A_156] : memref<10000x128xf32, #tpu.memory_space<hbm>> -> memref<10000x128xf32, #tpu.memory_space<hbm>>
    tpu.enqueue_indirect_dma source(%dma_start3A_157 : memref<10000x128xf32, #tpu.memory_space<hbm>>) target(%arg9 : memref<80x128xf32, #tpu.memory_space<vmem>>) offsets(%dma_start3A_154 : memref<80xi32, #tpu.memory_space<vmem>>) semaphore(%arg13 : memref<!tpu.dma_semaphore, #tpu.memory_space<semaphore_mem>>)
    %scan3A = arith.constant 0 : i32
    %scan3A_158 = arith.constant 0 : i32
    %scan3A_159 = arith.constant 42 : i32
    %scan3A_160 = arith.addi %scan3A_158, %scan3A_159 : i32
    %scan3A_161 = arith.constant 1 : i32
    scf.for %scan3A_357 = %scan3A_158 to %scan3A_160 step %scan3A_161  : i32 {
      %mul3A_358 = arith.constant 3 : i32
      %mul3A_359 = arith.muli %scan3A_357, %mul3A_358 : i32
      %add3A_360 = arith.constant 0 : i32
      %add3A_361 = arith.addi %mul3A_359, %add3A_360 : i32
      %lt3A = arith.constant 125 : i32
      %lt3A_362 = arith.cmpi slt, %add3A_361, %lt3A : i32
      %convert_element_type3A = arith.extui %lt3A_362 : i1 to i32
      %cond3A = arith.constant 0 : i32
      %cond3A_363 = arith.cmpi ne, %convert_element_type3A, %cond3A : i32
      scf.if %cond3A_363 {
        %dma_wait3A_431 = arith.constant 0 : i32
        %dma_wait3A_432 = tpu.memref_slice %arg6[%add3A_361, %dma_wait3A_431] : memref<125x80xi32, #tpu.memory_space<vmem>> -> memref<1x80xi32, #tpu.memory_space<vmem>>
        %dma_wait3A_433 = tpu.memref_squeeze %dma_wait3A_432 : memref<1x80xi32, #tpu.memory_space<vmem>> -> memref<80xi32, #tpu.memory_space<vmem>>
        %dma_wait3A_434 = arith.constant 0 : i32
        %dma_wait3A_435 = arith.constant 0 : i32
        %dma_wait3A_436 = tpu.memref_slice %arg3[%dma_wait3A_434, %dma_wait3A_435] : memref<10000x128xf32, #tpu.memory_space<hbm>> -> memref<10000x128xf32, #tpu.memory_space<hbm>>
        tpu.wait_indirect_dma semaphore(%arg12 : memref<!tpu.dma_semaphore, #tpu.memory_space<semaphore_mem>>) src(%dma_wait3A_436 : memref<10000x128xf32, #tpu.memory_space<hbm>>) dst(%arg8 : memref<80x128xf32, #tpu.memory_space<vmem>>)
        %dma_start3A_437 = arith.constant 0 : i32
        %dma_start3A_438 = tpu.memref_slice %arg7[%add3A_361, %dma_start3A_437] : memref<125x80xi32, #tpu.memory_space<vmem>> -> memref<1x80xi32, #tpu.memory_space<vmem>>
        %dma_start3A_439 = tpu.memref_squeeze %dma_start3A_438 : memref<1x80xi32, #tpu.memory_space<vmem>> -> memref<80xi32, #tpu.memory_space<vmem>>
        %dma_start3A_440 = arith.constant 0 : i32
        %dma_start3A_441 = arith.constant 0 : i32
        %dma_start3A_442 = tpu.memref_slice %arg11[%dma_start3A_440, %dma_start3A_441] : memref<10000x128xf32, #tpu.memory_space<vmem_shared>> -> memref<10000x128xf32, #tpu.memory_space<vmem_shared>>
        tpu.enqueue_indirect_dma source(%arg8 : memref<80x128xf32, #tpu.memory_space<vmem>>) target(%dma_start3A_442 : memref<10000x128xf32, #tpu.memory_space<vmem_shared>>) offsets(%dma_start3A_439 : memref<80xi32, #tpu.memory_space<vmem>>) semaphore(%arg15 : memref<!tpu.dma_semaphore, #tpu.memory_space<semaphore_mem>>) {add = true}
      } else {
      }
      %ge3A = arith.constant 1 : i32
      %ge3A_364 = arith.cmpi sge, %add3A_361, %ge3A : i32
      %add3A_365 = arith.constant 2 : i32
      %add3A_366 = arith.addi %add3A_361, %add3A_365 : i32
      %lt3A_367 = arith.constant 125 : i32
      %lt3A_368 = arith.cmpi slt, %add3A_366, %lt3A_367 : i32
      %and3A = arith.andi %ge3A_364, %lt3A_368 : i1
      %convert_element_type3A_369 = arith.extui %and3A : i1 to i32
      %cond3A_370 = arith.constant 0 : i32
      %cond3A_371 = arith.cmpi ne, %convert_element_type3A_369, %cond3A_370 : i32
      scf.if %cond3A_371 {
        %dma_wait3A_431 = arith.constant 0 : i32
        %dma_wait3A_432 = arith.constant 0 : i32
        %dma_wait3A_433 = tpu.memref_slice %arg7[%dma_wait3A_431, %dma_wait3A_432] : memref<125x80xi32, #tpu.memory_space<vmem>> -> memref<1x80xi32, #tpu.memory_space<vmem>>
        %dma_wait3A_434 = tpu.memref_squeeze %dma_wait3A_433 : memref<1x80xi32, #tpu.memory_space<vmem>> -> memref<80xi32, #tpu.memory_space<vmem>>
        %dma_wait3A_435 = arith.constant 0 : i32
        %dma_wait3A_436 = arith.constant 0 : i32
        %dma_wait3A_437 = tpu.memref_slice %arg11[%dma_wait3A_435, %dma_wait3A_436] : memref<10000x128xf32, #tpu.memory_space<vmem_shared>> -> memref<10000x128xf32, #tpu.memory_space<vmem_shared>>
        tpu.wait_indirect_dma semaphore(%arg17 : memref<!tpu.dma_semaphore, #tpu.memory_space<semaphore_mem>>) src(%arg10 : memref<80x128xf32, #tpu.memory_space<vmem>>) dst(%dma_wait3A_437 : memref<10000x128xf32, #tpu.memory_space<vmem_shared>>)
      } else {
      }
      %add3A_372 = arith.constant 2 : i32
      %add3A_373 = arith.addi %add3A_361, %add3A_372 : i32
      %lt3A_374 = arith.constant 125 : i32
      %lt3A_375 = arith.cmpi slt, %add3A_373, %lt3A_374 : i32
      %convert_element_type3A_376 = arith.extui %lt3A_375 : i1 to i32
      %cond3A_377 = arith.constant 0 : i32
      %cond3A_378 = arith.cmpi ne, %convert_element_type3A_376, %cond3A_377 : i32
      scf.if %cond3A_378 {
        %add3A_431 = arith.constant 2 : i32
        %add3A_432 = arith.addi %add3A_361, %add3A_431 : i32
        %dma_start3A_433 = arith.constant 0 : i32
        %dma_start3A_434 = tpu.memref_slice %arg6[%add3A_432, %dma_start3A_433] : memref<125x80xi32, #tpu.memory_space<vmem>> -> memref<1x80xi32, #tpu.memory_space<vmem>>
        %dma_start3A_435 = tpu.memref_squeeze %dma_start3A_434 : memref<1x80xi32, #tpu.memory_space<vmem>> -> memref<80xi32, #tpu.memory_space<vmem>>
        %dma_start3A_436 = arith.constant 0 : i32
        %dma_start3A_437 = arith.constant 0 : i32
        %dma_start3A_438 = tpu.memref_slice %arg3[%dma_start3A_436, %dma_start3A_437] : memref<10000x128xf32, #tpu.memory_space<hbm>> -> memref<10000x128xf32, #tpu.memory_space<hbm>>
        tpu.enqueue_indirect_dma source(%dma_start3A_438 : memref<10000x128xf32, #tpu.memory_space<hbm>>) target(%arg10 : memref<80x128xf32, #tpu.memory_space<vmem>>) offsets(%dma_start3A_435 : memref<80xi32, #tpu.memory_space<vmem>>) semaphore(%arg14 : memref<!tpu.dma_semaphore, #tpu.memory_space<semaphore_mem>>)
      } else {
      }
      %mul3A_379 = arith.constant 3 : i32
      %mul3A_380 = arith.muli %scan3A_357, %mul3A_379 : i32
      %add3A_381 = arith.constant 1 : i32
      %add3A_382 = arith.addi %mul3A_380, %add3A_381 : i32
      %lt3A_383 = arith.constant 125 : i32
      %lt3A_384 = arith.cmpi slt, %add3A_382, %lt3A_383 : i32
      %convert_element_type3A_385 = arith.extui %lt3A_384 : i1 to i32
      %cond3A_386 = arith.constant 0 : i32
      %cond3A_387 = arith.cmpi ne, %convert_element_type3A_385, %cond3A_386 : i32
      scf.if %cond3A_387 {
        %dma_wait3A_431 = arith.constant 0 : i32
        %dma_wait3A_432 = tpu.memref_slice %arg6[%add3A_382, %dma_wait3A_431] : memref<125x80xi32, #tpu.memory_space<vmem>> -> memref<1x80xi32, #tpu.memory_space<vmem>>
        %dma_wait3A_433 = tpu.memref_squeeze %dma_wait3A_432 : memref<1x80xi32, #tpu.memory_space<vmem>> -> memref<80xi32, #tpu.memory_space<vmem>>
        %dma_wait3A_434 = arith.constant 0 : i32
        %dma_wait3A_435 = arith.constant 0 : i32
        %dma_wait3A_436 = tpu.memref_slice %arg3[%dma_wait3A_434, %dma_wait3A_435] : memref<10000x128xf32, #tpu.memory_space<hbm>> -> memref<10000x128xf32, #tpu.memory_space<hbm>>
        tpu.wait_indirect_dma semaphore(%arg13 : memref<!tpu.dma_semaphore, #tpu.memory_space<semaphore_mem>>) src(%dma_wait3A_436 : memref<10000x128xf32, #tpu.memory_space<hbm>>) dst(%arg9 : memref<80x128xf32, #tpu.memory_space<vmem>>)
        %dma_start3A_437 = arith.constant 0 : i32
        %dma_start3A_438 = tpu.memref_slice %arg7[%add3A_382, %dma_start3A_437] : memref<125x80xi32, #tpu.memory_space<vmem>> -> memref<1x80xi32, #tpu.memory_space<vmem>>
        %dma_start3A_439 = tpu.memref_squeeze %dma_start3A_438 : memref<1x80xi32, #tpu.memory_space<vmem>> -> memref<80xi32, #tpu.memory_space<vmem>>
        %dma_start3A_440 = arith.constant 0 : i32
        %dma_start3A_441 = arith.constant 0 : i32
        %dma_start3A_442 = tpu.memref_slice %arg11[%dma_start3A_440, %dma_start3A_441] : memref<10000x128xf32, #tpu.memory_space<vmem_shared>> -> memref<10000x128xf32, #tpu.memory_space<vmem_shared>>
        tpu.enqueue_indirect_dma source(%arg9 : memref<80x128xf32, #tpu.memory_space<vmem>>) target(%dma_start3A_442 : memref<10000x128xf32, #tpu.memory_space<vmem_shared>>) offsets(%dma_start3A_439 : memref<80xi32, #tpu.memory_space<vmem>>) semaphore(%arg16 : memref<!tpu.dma_semaphore, #tpu.memory_space<semaphore_mem>>) {add = true}
      } else {
      }
      %ge3A_388 = arith.constant 1 : i32
      %ge3A_389 = arith.cmpi sge, %add3A_382, %ge3A_388 : i32
      %add3A_390 = arith.constant 2 : i32
      %add3A_391 = arith.addi %add3A_382, %add3A_390 : i32
      %lt3A_392 = arith.constant 125 : i32
      %lt3A_393 = arith.cmpi slt, %add3A_391, %lt3A_392 : i32
      %and3A_394 = arith.andi %ge3A_389, %lt3A_393 : i1
      %convert_element_type3A_395 = arith.extui %and3A_394 : i1 to i32
      %cond3A_396 = arith.constant 0 : i32
      %cond3A_397 = arith.cmpi ne, %convert_element_type3A_395, %cond3A_396 : i32
      scf.if %cond3A_397 {
        %dma_wait3A_431 = arith.constant 0 : i32
        %dma_wait3A_432 = arith.constant 0 : i32
        %dma_wait3A_433 = tpu.memref_slice %arg7[%dma_wait3A_431, %dma_wait3A_432] : memref<125x80xi32, #tpu.memory_space<vmem>> -> memref<1x80xi32, #tpu.memory_space<vmem>>
        %dma_wait3A_434 = tpu.memref_squeeze %dma_wait3A_433 : memref<1x80xi32, #tpu.memory_space<vmem>> -> memref<80xi32, #tpu.memory_space<vmem>>
        %dma_wait3A_435 = arith.constant 0 : i32
        %dma_wait3A_436 = arith.constant 0 : i32
        %dma_wait3A_437 = tpu.memref_slice %arg11[%dma_wait3A_435, %dma_wait3A_436] : memref<10000x128xf32, #tpu.memory_space<vmem_shared>> -> memref<10000x128xf32, #tpu.memory_space<vmem_shared>>
        tpu.wait_indirect_dma semaphore(%arg15 : memref<!tpu.dma_semaphore, #tpu.memory_space<semaphore_mem>>) src(%arg8 : memref<80x128xf32, #tpu.memory_space<vmem>>) dst(%dma_wait3A_437 : memref<10000x128xf32, #tpu.memory_space<vmem_shared>>)
      } else {
      }
      %add3A_398 = arith.constant 2 : i32
      %add3A_399 = arith.addi %add3A_382, %add3A_398 : i32
      %lt3A_400 = arith.constant 125 : i32
      %lt3A_401 = arith.cmpi slt, %add3A_399, %lt3A_400 : i32
      %convert_element_type3A_402 = arith.extui %lt3A_401 : i1 to i32
      %cond3A_403 = arith.constant 0 : i32
      %cond3A_404 = arith.cmpi ne, %convert_element_type3A_402, %cond3A_403 : i32
      scf.if %cond3A_404 {
        %add3A_431 = arith.constant 2 : i32
        %add3A_432 = arith.addi %add3A_382, %add3A_431 : i32
        %dma_start3A_433 = arith.constant 0 : i32
        %dma_start3A_434 = tpu.memref_slice %arg6[%add3A_432, %dma_start3A_433] : memref<125x80xi32, #tpu.memory_space<vmem>> -> memref<1x80xi32, #tpu.memory_space<vmem>>
        %dma_start3A_435 = tpu.memref_squeeze %dma_start3A_434 : memref<1x80xi32, #tpu.memory_space<vmem>> -> memref<80xi32, #tpu.memory_space<vmem>>
        %dma_start3A_436 = arith.constant 0 : i32
        %dma_start3A_437 = arith.constant 0 : i32
        %dma_start3A_438 = tpu.memref_slice %arg3[%dma_start3A_436, %dma_start3A_437] : memref<10000x128xf32, #tpu.memory_space<hbm>> -> memref<10000x128xf32, #tpu.memory_space<hbm>>
        tpu.enqueue_indirect_dma source(%dma_start3A_438 : memref<10000x128xf32, #tpu.memory_space<hbm>>) target(%arg8 : memref<80x128xf32, #tpu.memory_space<vmem>>) offsets(%dma_start3A_435 : memref<80xi32, #tpu.memory_space<vmem>>) semaphore(%arg12 : memref<!tpu.dma_semaphore, #tpu.memory_space<semaphore_mem>>)
      } else {
      }
      %mul3A_405 = arith.constant 3 : i32
      %mul3A_406 = arith.muli %scan3A_357, %mul3A_405 : i32
      %add3A_407 = arith.constant 2 : i32
      %add3A_408 = arith.addi %mul3A_406, %add3A_407 : i32
      %lt3A_409 = arith.constant 125 : i32
      %lt3A_410 = arith.cmpi slt, %add3A_408, %lt3A_409 : i32
      %convert_element_type3A_411 = arith.extui %lt3A_410 : i1 to i32
      %cond3A_412 = arith.constant 0 : i32
      %cond3A_413 = arith.cmpi ne, %convert_element_type3A_411, %cond3A_412 : i32
      scf.if %cond3A_413 {
        %dma_wait3A_431 = arith.constant 0 : i32
        %dma_wait3A_432 = tpu.memref_slice %arg6[%add3A_408, %dma_wait3A_431] : memref<125x80xi32, #tpu.memory_space<vmem>> -> memref<1x80xi32, #tpu.memory_space<vmem>>
        %dma_wait3A_433 = tpu.memref_squeeze %dma_wait3A_432 : memref<1x80xi32, #tpu.memory_space<vmem>> -> memref<80xi32, #tpu.memory_space<vmem>>
        %dma_wait3A_434 = arith.constant 0 : i32
        %dma_wait3A_435 = arith.constant 0 : i32
        %dma_wait3A_436 = tpu.memref_slice %arg3[%dma_wait3A_434, %dma_wait3A_435] : memref<10000x128xf32, #tpu.memory_space<hbm>> -> memref<10000x128xf32, #tpu.memory_space<hbm>>
        tpu.wait_indirect_dma semaphore(%arg14 : memref<!tpu.dma_semaphore, #tpu.memory_space<semaphore_mem>>) src(%dma_wait3A_436 : memref<10000x128xf32, #tpu.memory_space<hbm>>) dst(%arg10 : memref<80x128xf32, #tpu.memory_space<vmem>>)
        %dma_start3A_437 = arith.constant 0 : i32
        %dma_start3A_438 = tpu.memref_slice %arg7[%add3A_408, %dma_start3A_437] : memref<125x80xi32, #tpu.memory_space<vmem>> -> memref<1x80xi32, #tpu.memory_space<vmem>>
        %dma_start3A_439 = tpu.memref_squeeze %dma_start3A_438 : memref<1x80xi32, #tpu.memory_space<vmem>> -> memref<80xi32, #tpu.memory_space<vmem>>
        %dma_start3A_440 = arith.constant 0 : i32
        %dma_start3A_441 = arith.constant 0 : i32
        %dma_start3A_442 = tpu.memref_slice %arg11[%dma_start3A_440, %dma_start3A_441] : memref<10000x128xf32, #tpu.memory_space<vmem_shared>> -> memref<10000x128xf32, #tpu.memory_space<vmem_shared>>
        tpu.enqueue_indirect_dma source(%arg10 : memref<80x128xf32, #tpu.memory_space<vmem>>) target(%dma_start3A_442 : memref<10000x128xf32, #tpu.memory_space<vmem_shared>>) offsets(%dma_start3A_439 : memref<80xi32, #tpu.memory_space<vmem>>) semaphore(%arg17 : memref<!tpu.dma_semaphore, #tpu.memory_space<semaphore_mem>>) {add = true}
      } else {
      }
      %ge3A_414 = arith.constant 1 : i32
      %ge3A_415 = arith.cmpi sge, %add3A_408, %ge3A_414 : i32
      %add3A_416 = arith.constant 2 : i32
      %add3A_417 = arith.addi %add3A_408, %add3A_416 : i32
      %lt3A_418 = arith.constant 125 : i32
      %lt3A_419 = arith.cmpi slt, %add3A_417, %lt3A_418 : i32
      %and3A_420 = arith.andi %ge3A_415, %lt3A_419 : i1
      %convert_element_type3A_421 = arith.extui %and3A_420 : i1 to i32
      %cond3A_422 = arith.constant 0 : i32
      %cond3A_423 = arith.cmpi ne, %convert_element_type3A_421, %cond3A_422 : i32
      scf.if %cond3A_423 {
        %dma_wait3A_431 = arith.constant 0 : i32
        %dma_wait3A_432 = arith.constant 0 : i32
        %dma_wait3A_433 = tpu.memref_slice %arg7[%dma_wait3A_431, %dma_wait3A_432] : memref<125x80xi32, #tpu.memory_space<vmem>> -> memref<1x80xi32, #tpu.memory_space<vmem>>
        %dma_wait3A_434 = tpu.memref_squeeze %dma_wait3A_433 : memref<1x80xi32, #tpu.memory_space<vmem>> -> memref<80xi32, #tpu.memory_space<vmem>>
        %dma_wait3A_435 = arith.constant 0 : i32
        %dma_wait3A_436 = arith.constant 0 : i32
        %dma_wait3A_437 = tpu.memref_slice %arg11[%dma_wait3A_435, %dma_wait3A_436] : memref<10000x128xf32, #tpu.memory_space<vmem_shared>> -> memref<10000x128xf32, #tpu.memory_space<vmem_shared>>
        tpu.wait_indirect_dma semaphore(%arg16 : memref<!tpu.dma_semaphore, #tpu.memory_space<semaphore_mem>>) src(%arg9 : memref<80x128xf32, #tpu.memory_space<vmem>>) dst(%dma_wait3A_437 : memref<10000x128xf32, #tpu.memory_space<vmem_shared>>)
      } else {
      }
      %add3A_424 = arith.constant 2 : i32
      %add3A_425 = arith.addi %add3A_408, %add3A_424 : i32
      %lt3A_426 = arith.constant 125 : i32
      %lt3A_427 = arith.cmpi slt, %add3A_425, %lt3A_426 : i32
      %convert_element_type3A_428 = arith.extui %lt3A_427 : i1 to i32
      %cond3A_429 = arith.constant 0 : i32
      %cond3A_430 = arith.cmpi ne, %convert_element_type3A_428, %cond3A_429 : i32
      scf.if %cond3A_430 {
        %add3A_431 = arith.constant 2 : i32
        %add3A_432 = arith.addi %add3A_408, %add3A_431 : i32
        %dma_start3A_433 = arith.constant 0 : i32
        %dma_start3A_434 = tpu.memref_slice %arg6[%add3A_432, %dma_start3A_433] : memref<125x80xi32, #tpu.memory_space<vmem>> -> memref<1x80xi32, #tpu.memory_space<vmem>>
        %dma_start3A_435 = tpu.memref_squeeze %dma_start3A_434 : memref<1x80xi32, #tpu.memory_space<vmem>> -> memref<80xi32, #tpu.memory_space<vmem>>
        %dma_start3A_436 = arith.constant 0 : i32
        %dma_start3A_437 = arith.constant 0 : i32
        %dma_start3A_438 = tpu.memref_slice %arg3[%dma_start3A_436, %dma_start3A_437] : memref<10000x128xf32, #tpu.memory_space<hbm>> -> memref<10000x128xf32, #tpu.memory_space<hbm>>
        tpu.enqueue_indirect_dma source(%dma_start3A_438 : memref<10000x128xf32, #tpu.memory_space<hbm>>) target(%arg9 : memref<80x128xf32, #tpu.memory_space<vmem>>) offsets(%dma_start3A_435 : memref<80xi32, #tpu.memory_space<vmem>>) semaphore(%arg13 : memref<!tpu.dma_semaphore, #tpu.memory_space<semaphore_mem>>)
      } else {
      }
    }
    %scan3A_162 = arith.constant 42 : i32
    %dma_wait3A_163 = arith.constant 0 : i32
    %dma_wait3A_164 = arith.constant 0 : i32
    %dma_wait3A_165 = tpu.memref_slice %arg7[%dma_wait3A_163, %dma_wait3A_164] : memref<125x80xi32, #tpu.memory_space<vmem>> -> memref<1x80xi32, #tpu.memory_space<vmem>>
    %dma_wait3A_166 = tpu.memref_squeeze %dma_wait3A_165 : memref<1x80xi32, #tpu.memory_space<vmem>> -> memref<80xi32, #tpu.memory_space<vmem>>
    %dma_wait3A_167 = arith.constant 0 : i32
    %dma_wait3A_168 = arith.constant 0 : i32
    %dma_wait3A_169 = tpu.memref_slice %arg11[%dma_wait3A_167, %dma_wait3A_168] : memref<10000x128xf32, #tpu.memory_space<vmem_shared>> -> memref<10000x128xf32, #tpu.memory_space<vmem_shared>>
    tpu.wait_indirect_dma semaphore(%arg15 : memref<!tpu.dma_semaphore, #tpu.memory_space<semaphore_mem>>) src(%arg8 : memref<80x128xf32, #tpu.memory_space<vmem>>) dst(%dma_wait3A_169 : memref<10000x128xf32, #tpu.memory_space<vmem_shared>>)
    %dma_wait3A_170 = arith.constant 0 : i32
    %dma_wait3A_171 = arith.constant 0 : i32
    %dma_wait3A_172 = tpu.memref_slice %arg7[%dma_wait3A_170, %dma_wait3A_171] : memref<125x80xi32, #tpu.memory_space<vmem>> -> memref<1x80xi32, #tpu.memory_space<vmem>>
    %dma_wait3A_173 = tpu.memref_squeeze %dma_wait3A_172 : memref<1x80xi32, #tpu.memory_space<vmem>> -> memref<80xi32, #tpu.memory_space<vmem>>
    %dma_wait3A_174 = arith.constant 0 : i32
    %dma_wait3A_175 = arith.constant 0 : i32
    %dma_wait3A_176 = tpu.memref_slice %arg11[%dma_wait3A_174, %dma_wait3A_175] : memref<10000x128xf32, #tpu.memory_space<vmem_shared>> -> memref<10000x128xf32, #tpu.memory_space<vmem_shared>>
    tpu.wait_indirect_dma semaphore(%arg16 : memref<!tpu.dma_semaphore, #tpu.memory_space<semaphore_mem>>) src(%arg9 : memref<80x128xf32, #tpu.memory_space<vmem>>) dst(%dma_wait3A_176 : memref<10000x128xf32, #tpu.memory_space<vmem_shared>>)
    %dma_wait3A_177 = arith.constant 0 : i32
    %dma_wait3A_178 = arith.constant 0 : i32
    %dma_wait3A_179 = tpu.memref_slice %arg7[%dma_wait3A_177, %dma_wait3A_178] : memref<125x80xi32, #tpu.memory_space<vmem>> -> memref<1x80xi32, #tpu.memory_space<vmem>>
    %dma_wait3A_180 = tpu.memref_squeeze %dma_wait3A_179 : memref<1x80xi32, #tpu.memory_space<vmem>> -> memref<80xi32, #tpu.memory_space<vmem>>
    %dma_wait3A_181 = arith.constant 0 : i32
    %dma_wait3A_182 = arith.constant 0 : i32
    %dma_wait3A_183 = tpu.memref_slice %arg11[%dma_wait3A_181, %dma_wait3A_182] : memref<10000x128xf32, #tpu.memory_space<vmem_shared>> -> memref<10000x128xf32, #tpu.memory_space<vmem_shared>>
    tpu.wait_indirect_dma semaphore(%arg17 : memref<!tpu.dma_semaphore, #tpu.memory_space<semaphore_mem>>) src(%arg10 : memref<80x128xf32, #tpu.memory_space<vmem>>) dst(%dma_wait3A_183 : memref<10000x128xf32, #tpu.memory_space<vmem_shared>>)
    %barrier3A_184 = arith.constant 0 : index
    tpu.barrier barrier_id(%barrier3A_184)
    %mul3A_185 = arith.constant 625 : i32
    %mul3A_186 = arith.muli %arg1, %mul3A_185 : i32
    %add3A_187 = arith.constant 0 : i32
    %add3A_188 = arith.addi %mul3A_186, %add3A_187 : i32
    "tpu.region"() ({
      %run_scoped3A_357 = tpu.sem_alloc : memref<!tpu.dma_semaphore, #tpu.memory_space<semaphore_mem>>
      %dma_start3A_358 = arith.constant 0 : i32
      %dma_start3A_359 = tpu.memref_slice %arg11[%add3A_188, %dma_start3A_358] : memref<10000x128xf32, #tpu.memory_space<vmem_shared>> -> memref<80x128xf32, #tpu.memory_space<vmem_shared>>
      %dma_start3A_360 = arith.constant 0 : i32
      %dma_start3A_361 = tpu.memref_slice %arg11[%add3A_188, %dma_start3A_360] : memref<10000x128xf32, #tpu.memory_space<vmem_shared>> -> memref<80x128xf32, #tpu.memory_space<vmem_shared>>
      tpu.enqueue_dma source(%dma_start3A_361 : memref<80x128xf32, #tpu.memory_space<vmem_shared>>) target(%arg8 : memref<80x128xf32, #tpu.memory_space<vmem>>) target_semaphore(%run_scoped3A_357 : memref<!tpu.dma_semaphore, #tpu.memory_space<semaphore_mem>>)
      %dma_wait3A_362 = arith.constant 0 : i32
      %dma_wait3A_363 = tpu.memref_slice %arg11[%add3A_188, %dma_wait3A_362] : memref<10000x128xf32, #tpu.memory_space<vmem_shared>> -> memref<80x128xf32, #tpu.memory_space<vmem_shared>>
      %dma_wait3A_364 = arith.constant 0 : i32
      %dma_wait3A_365 = tpu.memref_slice %arg11[%add3A_188, %dma_wait3A_364] : memref<10000x128xf32, #tpu.memory_space<vmem_shared>> -> memref<80x128xf32, #tpu.memory_space<vmem_shared>>
      tpu.wait_dma2 semaphore(%run_scoped3A_357 : memref<!tpu.dma_semaphore, #tpu.memory_space<semaphore_mem>>) src(%dma_wait3A_365 : memref<80x128xf32, #tpu.memory_space<vmem_shared>>) dst(%arg8 : memref<80x128xf32, #tpu.memory_space<vmem>>)
      tpu.yield
    }) : () -> ()
    %dma_start3A_189 = arith.constant 0 : i32
    %dma_start3A_190 = tpu.memref_slice %arg5[%arg0, %add3A_188, %dma_start3A_189] : memref<2x10000x128xf32, #tpu.memory_space<hbm>> -> memref<1x80x128xf32, #tpu.memory_space<hbm>>
    %dma_start3A_191 = tpu.memref_squeeze %dma_start3A_190 : memref<1x80x128xf32, #tpu.memory_space<hbm>> -> memref<80x128xf32, #tpu.memory_space<hbm>>
    %dma_start3A_192 = arith.constant 0 : i32
    %dma_start3A_193 = tpu.memref_slice %arg5[%arg0, %add3A_188, %dma_start3A_192] : memref<2x10000x128xf32, #tpu.memory_space<hbm>> -> memref<1x80x128xf32, #tpu.memory_space<hbm>>
    %dma_start3A_194 = tpu.memref_squeeze %dma_start3A_193 : memref<1x80x128xf32, #tpu.memory_space<hbm>> -> memref<80x128xf32, #tpu.memory_space<hbm>>
    tpu.enqueue_dma source(%arg8 : memref<80x128xf32, #tpu.memory_space<vmem>>) target(%dma_start3A_194 : memref<80x128xf32, #tpu.memory_space<hbm>>) target_semaphore(%arg12 : memref<!tpu.dma_semaphore, #tpu.memory_space<semaphore_mem>>)
    %mul3A_195 = arith.constant 625 : i32
    %mul3A_196 = arith.muli %arg1, %mul3A_195 : i32
    %add3A_197 = arith.constant 80 : i32
    %add3A_198 = arith.addi %mul3A_196, %add3A_197 : i32
    "tpu.region"() ({
      %run_scoped3A_357 = tpu.sem_alloc : memref<!tpu.dma_semaphore, #tpu.memory_space<semaphore_mem>>
      %dma_start3A_358 = arith.constant 0 : i32
      %dma_start3A_359 = tpu.memref_slice %arg11[%add3A_198, %dma_start3A_358] : memref<10000x128xf32, #tpu.memory_space<vmem_shared>> -> memref<80x128xf32, #tpu.memory_space<vmem_shared>>
      %dma_start3A_360 = arith.constant 0 : i32
      %dma_start3A_361 = tpu.memref_slice %arg11[%add3A_198, %dma_start3A_360] : memref<10000x128xf32, #tpu.memory_space<vmem_shared>> -> memref<80x128xf32, #tpu.memory_space<vmem_shared>>
      tpu.enqueue_dma source(%dma_start3A_361 : memref<80x128xf32, #tpu.memory_space<vmem_shared>>) target(%arg9 : memref<80x128xf32, #tpu.memory_space<vmem>>) target_semaphore(%run_scoped3A_357 : memref<!tpu.dma_semaphore, #tpu.memory_space<semaphore_mem>>)
      %dma_wait3A_362 = arith.constant 0 : i32
      %dma_wait3A_363 = tpu.memref_slice %arg11[%add3A_198, %dma_wait3A_362] : memref<10000x128xf32, #tpu.memory_space<vmem_shared>> -> memref<80x128xf32, #tpu.memory_space<vmem_shared>>
      %dma_wait3A_364 = arith.constant 0 : i32
      %dma_wait3A_365 = tpu.memref_slice %arg11[%add3A_198, %dma_wait3A_364] : memref<10000x128xf32, #tpu.memory_space<vmem_shared>> -> memref<80x128xf32, #tpu.memory_space<vmem_shared>>
      tpu.wait_dma2 semaphore(%run_scoped3A_357 : memref<!tpu.dma_semaphore, #tpu.memory_space<semaphore_mem>>) src(%dma_wait3A_365 : memref<80x128xf32, #tpu.memory_space<vmem_shared>>) dst(%arg9 : memref<80x128xf32, #tpu.memory_space<vmem>>)
      tpu.yield
    }) : () -> ()
    %dma_start3A_199 = arith.constant 0 : i32
    %dma_start3A_200 = tpu.memref_slice %arg5[%arg0, %add3A_198, %dma_start3A_199] : memref<2x10000x128xf32, #tpu.memory_space<hbm>> -> memref<1x80x128xf32, #tpu.memory_space<hbm>>
    %dma_start3A_201 = tpu.memref_squeeze %dma_start3A_200 : memref<1x80x128xf32, #tpu.memory_space<hbm>> -> memref<80x128xf32, #tpu.memory_space<hbm>>
    %dma_start3A_202 = arith.constant 0 : i32
    %dma_start3A_203 = tpu.memref_slice %arg5[%arg0, %add3A_198, %dma_start3A_202] : memref<2x10000x128xf32, #tpu.memory_space<hbm>> -> memref<1x80x128xf32, #tpu.memory_space<hbm>>
    %dma_start3A_204 = tpu.memref_squeeze %dma_start3A_203 : memref<1x80x128xf32, #tpu.memory_space<hbm>> -> memref<80x128xf32, #tpu.memory_space<hbm>>
    tpu.enqueue_dma source(%arg9 : memref<80x128xf32, #tpu.memory_space<vmem>>) target(%dma_start3A_204 : memref<80x128xf32, #tpu.memory_space<hbm>>) target_semaphore(%arg13 : memref<!tpu.dma_semaphore, #tpu.memory_space<semaphore_mem>>)
    %mul3A_205 = arith.constant 625 : i32
    %mul3A_206 = arith.muli %arg1, %mul3A_205 : i32
    %add3A_207 = arith.constant 160 : i32
    %add3A_208 = arith.addi %mul3A_206, %add3A_207 : i32
    "tpu.region"() ({
      %run_scoped3A_357 = tpu.sem_alloc : memref<!tpu.dma_semaphore, #tpu.memory_space<semaphore_mem>>
      %dma_start3A_358 = arith.constant 0 : i32
      %dma_start3A_359 = tpu.memref_slice %arg11[%add3A_208, %dma_start3A_358] : memref<10000x128xf32, #tpu.memory_space<vmem_shared>> -> memref<80x128xf32, #tpu.memory_space<vmem_shared>>
      %dma_start3A_360 = arith.constant 0 : i32
      %dma_start3A_361 = tpu.memref_slice %arg11[%add3A_208, %dma_start3A_360] : memref<10000x128xf32, #tpu.memory_space<vmem_shared>> -> memref<80x128xf32, #tpu.memory_space<vmem_shared>>
      tpu.enqueue_dma source(%dma_start3A_361 : memref<80x128xf32, #tpu.memory_space<vmem_shared>>) target(%arg10 : memref<80x128xf32, #tpu.memory_space<vmem>>) target_semaphore(%run_scoped3A_357 : memref<!tpu.dma_semaphore, #tpu.memory_space<semaphore_mem>>)
      %dma_wait3A_362 = arith.constant 0 : i32
      %dma_wait3A_363 = tpu.memref_slice %arg11[%add3A_208, %dma_wait3A_362] : memref<10000x128xf32, #tpu.memory_space<vmem_shared>> -> memref<80x128xf32, #tpu.memory_space<vmem_shared>>
      %dma_wait3A_364 = arith.constant 0 : i32
      %dma_wait3A_365 = tpu.memref_slice %arg11[%add3A_208, %dma_wait3A_364] : memref<10000x128xf32, #tpu.memory_space<vmem_shared>> -> memref<80x128xf32, #tpu.memory_space<vmem_shared>>
      tpu.wait_dma2 semaphore(%run_scoped3A_357 : memref<!tpu.dma_semaphore, #tpu.memory_space<semaphore_mem>>) src(%dma_wait3A_365 : memref<80x128xf32, #tpu.memory_space<vmem_shared>>) dst(%arg10 : memref<80x128xf32, #tpu.memory_space<vmem>>)
      tpu.yield
    }) : () -> ()
    %dma_start3A_209 = arith.constant 0 : i32
    %dma_start3A_210 = tpu.memref_slice %arg5[%arg0, %add3A_208, %dma_start3A_209] : memref<2x10000x128xf32, #tpu.memory_space<hbm>> -> memref<1x80x128xf32, #tpu.memory_space<hbm>>
    %dma_start3A_211 = tpu.memref_squeeze %dma_start3A_210 : memref<1x80x128xf32, #tpu.memory_space<hbm>> -> memref<80x128xf32, #tpu.memory_space<hbm>>
    %dma_start3A_212 = arith.constant 0 : i32
    %dma_start3A_213 = tpu.memref_slice %arg5[%arg0, %add3A_208, %dma_start3A_212] : memref<2x10000x128xf32, #tpu.memory_space<hbm>> -> memref<1x80x128xf32, #tpu.memory_space<hbm>>
    %dma_start3A_214 = tpu.memref_squeeze %dma_start3A_213 : memref<1x80x128xf32, #tpu.memory_space<hbm>> -> memref<80x128xf32, #tpu.memory_space<hbm>>
    tpu.enqueue_dma source(%arg10 : memref<80x128xf32, #tpu.memory_space<vmem>>) target(%dma_start3A_214 : memref<80x128xf32, #tpu.memory_space<hbm>>) target_semaphore(%arg14 : memref<!tpu.dma_semaphore, #tpu.memory_space<semaphore_mem>>)
    %mul3A_215 = arith.constant 625 : i32
    %mul3A_216 = arith.muli %arg1, %mul3A_215 : i32
    %add3A_217 = arith.constant 240 : i32
    %add3A_218 = arith.addi %mul3A_216, %add3A_217 : i32
    %mul3A_219 = arith.constant 625 : i32
    %mul3A_220 = arith.muli %arg1, %mul3A_219 : i32
    %add3A_221 = arith.constant 0 : i32
    %add3A_222 = arith.addi %mul3A_220, %add3A_221 : i32
    %dma_wait3A_223 = arith.constant 0 : i32
    %dma_wait3A_224 = tpu.memref_slice %arg5[%arg0, %add3A_222, %dma_wait3A_223] : memref<2x10000x128xf32, #tpu.memory_space<hbm>> -> memref<1x80x128xf32, #tpu.memory_space<hbm>>
    %dma_wait3A_225 = tpu.memref_squeeze %dma_wait3A_224 : memref<1x80x128xf32, #tpu.memory_space<hbm>> -> memref<80x128xf32, #tpu.memory_space<hbm>>
    %dma_wait3A_226 = arith.constant 0 : i32
    %dma_wait3A_227 = tpu.memref_slice %arg5[%arg0, %add3A_222, %dma_wait3A_226] : memref<2x10000x128xf32, #tpu.memory_space<hbm>> -> memref<1x80x128xf32, #tpu.memory_space<hbm>>
    %dma_wait3A_228 = tpu.memref_squeeze %dma_wait3A_227 : memref<1x80x128xf32, #tpu.memory_space<hbm>> -> memref<80x128xf32, #tpu.memory_space<hbm>>
    tpu.wait_dma2 semaphore(%arg12 : memref<!tpu.dma_semaphore, #tpu.memory_space<semaphore_mem>>) src(%arg8 : memref<80x128xf32, #tpu.memory_space<vmem>>) dst(%dma_wait3A_228 : memref<80x128xf32, #tpu.memory_space<hbm>>)
    "tpu.region"() ({
      %run_scoped3A_357 = tpu.sem_alloc : memref<!tpu.dma_semaphore, #tpu.memory_space<semaphore_mem>>
      %dma_start3A_358 = arith.constant 0 : i32
      %dma_start3A_359 = tpu.memref_slice %arg11[%add3A_218, %dma_start3A_358] : memref<10000x128xf32, #tpu.memory_space<vmem_shared>> -> memref<80x128xf32, #tpu.memory_space<vmem_shared>>
      %dma_start3A_360 = arith.constant 0 : i32
      %dma_start3A_361 = tpu.memref_slice %arg11[%add3A_218, %dma_start3A_360] : memref<10000x128xf32, #tpu.memory_space<vmem_shared>> -> memref<80x128xf32, #tpu.memory_space<vmem_shared>>
      tpu.enqueue_dma source(%dma_start3A_361 : memref<80x128xf32, #tpu.memory_space<vmem_shared>>) target(%arg8 : memref<80x128xf32, #tpu.memory_space<vmem>>) target_semaphore(%run_scoped3A_357 : memref<!tpu.dma_semaphore, #tpu.memory_space<semaphore_mem>>)
      %dma_wait3A_362 = arith.constant 0 : i32
      %dma_wait3A_363 = tpu.memref_slice %arg11[%add3A_218, %dma_wait3A_362] : memref<10000x128xf32, #tpu.memory_space<vmem_shared>> -> memref<80x128xf32, #tpu.memory_space<vmem_shared>>
      %dma_wait3A_364 = arith.constant 0 : i32
      %dma_wait3A_365 = tpu.memref_slice %arg11[%add3A_218, %dma_wait3A_364] : memref<10000x128xf32, #tpu.memory_space<vmem_shared>> -> memref<80x128xf32, #tpu.memory_space<vmem_shared>>
      tpu.wait_dma2 semaphore(%run_scoped3A_357 : memref<!tpu.dma_semaphore, #tpu.memory_space<semaphore_mem>>) src(%dma_wait3A_365 : memref<80x128xf32, #tpu.memory_space<vmem_shared>>) dst(%arg8 : memref<80x128xf32, #tpu.memory_space<vmem>>)
      tpu.yield
    }) : () -> ()
    %dma_start3A_229 = arith.constant 0 : i32
    %dma_start3A_230 = tpu.memref_slice %arg5[%arg0, %add3A_218, %dma_start3A_229] : memref<2x10000x128xf32, #tpu.memory_space<hbm>> -> memref<1x80x128xf32, #tpu.memory_space<hbm>>
    %dma_start3A_231 = tpu.memref_squeeze %dma_start3A_230 : memref<1x80x128xf32, #tpu.memory_space<hbm>> -> memref<80x128xf32, #tpu.memory_space<hbm>>
    %dma_start3A_232 = arith.constant 0 : i32
    %dma_start3A_233 = tpu.memref_slice %arg5[%arg0, %add3A_218, %dma_start3A_232] : memref<2x10000x128xf32, #tpu.memory_space<hbm>> -> memref<1x80x128xf32, #tpu.memory_space<hbm>>
    %dma_start3A_234 = tpu.memref_squeeze %dma_start3A_233 : memref<1x80x128xf32, #tpu.memory_space<hbm>> -> memref<80x128xf32, #tpu.memory_space<hbm>>
    tpu.enqueue_dma source(%arg8 : memref<80x128xf32, #tpu.memory_space<vmem>>) target(%dma_start3A_234 : memref<80x128xf32, #tpu.memory_space<hbm>>) target_semaphore(%arg12 : memref<!tpu.dma_semaphore, #tpu.memory_space<semaphore_mem>>)
    %mul3A_235 = arith.constant 625 : i32
    %mul3A_236 = arith.muli %arg1, %mul3A_235 : i32
    %add3A_237 = arith.constant 320 : i32
    %add3A_238 = arith.addi %mul3A_236, %add3A_237 : i32
    %mul3A_239 = arith.constant 625 : i32
    %mul3A_240 = arith.muli %arg1, %mul3A_239 : i32
    %add3A_241 = arith.constant 80 : i32
    %add3A_242 = arith.addi %mul3A_240, %add3A_241 : i32
    %dma_wait3A_243 = arith.constant 0 : i32
    %dma_wait3A_244 = tpu.memref_slice %arg5[%arg0, %add3A_242, %dma_wait3A_243] : memref<2x10000x128xf32, #tpu.memory_space<hbm>> -> memref<1x80x128xf32, #tpu.memory_space<hbm>>
    %dma_wait3A_245 = tpu.memref_squeeze %dma_wait3A_244 : memref<1x80x128xf32, #tpu.memory_space<hbm>> -> memref<80x128xf32, #tpu.memory_space<hbm>>
    %dma_wait3A_246 = arith.constant 0 : i32
    %dma_wait3A_247 = tpu.memref_slice %arg5[%arg0, %add3A_242, %dma_wait3A_246] : memref<2x10000x128xf32, #tpu.memory_space<hbm>> -> memref<1x80x128xf32, #tpu.memory_space<hbm>>
    %dma_wait3A_248 = tpu.memref_squeeze %dma_wait3A_247 : memref<1x80x128xf32, #tpu.memory_space<hbm>> -> memref<80x128xf32, #tpu.memory_space<hbm>>
    tpu.wait_dma2 semaphore(%arg13 : memref<!tpu.dma_semaphore, #tpu.memory_space<semaphore_mem>>) src(%arg9 : memref<80x128xf32, #tpu.memory_space<vmem>>) dst(%dma_wait3A_248 : memref<80x128xf32, #tpu.memory_space<hbm>>)
    "tpu.region"() ({
      %run_scoped3A_357 = tpu.sem_alloc : memref<!tpu.dma_semaphore, #tpu.memory_space<semaphore_mem>>
      %dma_start3A_358 = arith.constant 0 : i32
      %dma_start3A_359 = tpu.memref_slice %arg11[%add3A_238, %dma_start3A_358] : memref<10000x128xf32, #tpu.memory_space<vmem_shared>> -> memref<80x128xf32, #tpu.memory_space<vmem_shared>>
      %dma_start3A_360 = arith.constant 0 : i32
      %dma_start3A_361 = tpu.memref_slice %arg11[%add3A_238, %dma_start3A_360] : memref<10000x128xf32, #tpu.memory_space<vmem_shared>> -> memref<80x128xf32, #tpu.memory_space<vmem_shared>>
      tpu.enqueue_dma source(%dma_start3A_361 : memref<80x128xf32, #tpu.memory_space<vmem_shared>>) target(%arg9 : memref<80x128xf32, #tpu.memory_space<vmem>>) target_semaphore(%run_scoped3A_357 : memref<!tpu.dma_semaphore, #tpu.memory_space<semaphore_mem>>)
      %dma_wait3A_362 = arith.constant 0 : i32
      %dma_wait3A_363 = tpu.memref_slice %arg11[%add3A_238, %dma_wait3A_362] : memref<10000x128xf32, #tpu.memory_space<vmem_shared>> -> memref<80x128xf32, #tpu.memory_space<vmem_shared>>
      %dma_wait3A_364 = arith.constant 0 : i32
      %dma_wait3A_365 = tpu.memref_slice %arg11[%add3A_238, %dma_wait3A_364] : memref<10000x128xf32, #tpu.memory_space<vmem_shared>> -> memref<80x128xf32, #tpu.memory_space<vmem_shared>>
      tpu.wait_dma2 semaphore(%run_scoped3A_357 : memref<!tpu.dma_semaphore, #tpu.memory_space<semaphore_mem>>) src(%dma_wait3A_365 : memref<80x128xf32, #tpu.memory_space<vmem_shared>>) dst(%arg9 : memref<80x128xf32, #tpu.memory_space<vmem>>)
      tpu.yield
    }) : () -> ()
    %dma_start3A_249 = arith.constant 0 : i32
    %dma_start3A_250 = tpu.memref_slice %arg5[%arg0, %add3A_238, %dma_start3A_249] : memref<2x10000x128xf32, #tpu.memory_space<hbm>> -> memref<1x80x128xf32, #tpu.memory_space<hbm>>
    %dma_start3A_251 = tpu.memref_squeeze %dma_start3A_250 : memref<1x80x128xf32, #tpu.memory_space<hbm>> -> memref<80x128xf32, #tpu.memory_space<hbm>>
    %dma_start3A_252 = arith.constant 0 : i32
    %dma_start3A_253 = tpu.memref_slice %arg5[%arg0, %add3A_238, %dma_start3A_252] : memref<2x10000x128xf32, #tpu.memory_space<hbm>> -> memref<1x80x128xf32, #tpu.memory_space<hbm>>
    %dma_start3A_254 = tpu.memref_squeeze %dma_start3A_253 : memref<1x80x128xf32, #tpu.memory_space<hbm>> -> memref<80x128xf32, #tpu.memory_space<hbm>>
    tpu.enqueue_dma source(%arg9 : memref<80x128xf32, #tpu.memory_space<vmem>>) target(%dma_start3A_254 : memref<80x128xf32, #tpu.memory_space<hbm>>) target_semaphore(%arg13 : memref<!tpu.dma_semaphore, #tpu.memory_space<semaphore_mem>>)
    %mul3A_255 = arith.constant 625 : i32
    %mul3A_256 = arith.muli %arg1, %mul3A_255 : i32
    %add3A_257 = arith.constant 400 : i32
    %add3A_258 = arith.addi %mul3A_256, %add3A_257 : i32
    %mul3A_259 = arith.constant 625 : i32
    %mul3A_260 = arith.muli %arg1, %mul3A_259 : i32
    %add3A_261 = arith.constant 160 : i32
    %add3A_262 = arith.addi %mul3A_260, %add3A_261 : i32
    %dma_wait3A_263 = arith.constant 0 : i32
    %dma_wait3A_264 = tpu.memref_slice %arg5[%arg0, %add3A_262, %dma_wait3A_263] : memref<2x10000x128xf32, #tpu.memory_space<hbm>> -> memref<1x80x128xf32, #tpu.memory_space<hbm>>
    %dma_wait3A_265 = tpu.memref_squeeze %dma_wait3A_264 : memref<1x80x128xf32, #tpu.memory_space<hbm>> -> memref<80x128xf32, #tpu.memory_space<hbm>>
    %dma_wait3A_266 = arith.constant 0 : i32
    %dma_wait3A_267 = tpu.memref_slice %arg5[%arg0, %add3A_262, %dma_wait3A_266] : memref<2x10000x128xf32, #tpu.memory_space<hbm>> -> memref<1x80x128xf32, #tpu.memory_space<hbm>>
    %dma_wait3A_268 = tpu.memref_squeeze %dma_wait3A_267 : memref<1x80x128xf32, #tpu.memory_space<hbm>> -> memref<80x128xf32, #tpu.memory_space<hbm>>
    tpu.wait_dma2 semaphore(%arg14 : memref<!tpu.dma_semaphore, #tpu.memory_space<semaphore_mem>>) src(%arg10 : memref<80x128xf32, #tpu.memory_space<vmem>>) dst(%dma_wait3A_268 : memref<80x128xf32, #tpu.memory_space<hbm>>)
    "tpu.region"() ({
      %run_scoped3A_357 = tpu.sem_alloc : memref<!tpu.dma_semaphore, #tpu.memory_space<semaphore_mem>>
      %dma_start3A_358 = arith.constant 0 : i32
      %dma_start3A_359 = tpu.memref_slice %arg11[%add3A_258, %dma_start3A_358] : memref<10000x128xf32, #tpu.memory_space<vmem_shared>> -> memref<80x128xf32, #tpu.memory_space<vmem_shared>>
      %dma_start3A_360 = arith.constant 0 : i32
      %dma_start3A_361 = tpu.memref_slice %arg11[%add3A_258, %dma_start3A_360] : memref<10000x128xf32, #tpu.memory_space<vmem_shared>> -> memref<80x128xf32, #tpu.memory_space<vmem_shared>>
      tpu.enqueue_dma source(%dma_start3A_361 : memref<80x128xf32, #tpu.memory_space<vmem_shared>>) target(%arg10 : memref<80x128xf32, #tpu.memory_space<vmem>>) target_semaphore(%run_scoped3A_357 : memref<!tpu.dma_semaphore, #tpu.memory_space<semaphore_mem>>)
      %dma_wait3A_362 = arith.constant 0 : i32
      %dma_wait3A_363 = tpu.memref_slice %arg11[%add3A_258, %dma_wait3A_362] : memref<10000x128xf32, #tpu.memory_space<vmem_shared>> -> memref<80x128xf32, #tpu.memory_space<vmem_shared>>
      %dma_wait3A_364 = arith.constant 0 : i32
      %dma_wait3A_365 = tpu.memref_slice %arg11[%add3A_258, %dma_wait3A_364] : memref<10000x128xf32, #tpu.memory_space<vmem_shared>> -> memref<80x128xf32, #tpu.memory_space<vmem_shared>>
      tpu.wait_dma2 semaphore(%run_scoped3A_357 : memref<!tpu.dma_semaphore, #tpu.memory_space<semaphore_mem>>) src(%dma_wait3A_365 : memref<80x128xf32, #tpu.memory_space<vmem_shared>>) dst(%arg10 : memref<80x128xf32, #tpu.memory_space<vmem>>)
      tpu.yield
    }) : () -> ()
    %dma_start3A_269 = arith.constant 0 : i32
    %dma_start3A_270 = tpu.memref_slice %arg5[%arg0, %add3A_258, %dma_start3A_269] : memref<2x10000x128xf32, #tpu.memory_space<hbm>> -> memref<1x80x128xf32, #tpu.memory_space<hbm>>
    %dma_start3A_271 = tpu.memref_squeeze %dma_start3A_270 : memref<1x80x128xf32, #tpu.memory_space<hbm>> -> memref<80x128xf32, #tpu.memory_space<hbm>>
    %dma_start3A_272 = arith.constant 0 : i32
    %dma_start3A_273 = tpu.memref_slice %arg5[%arg0, %add3A_258, %dma_start3A_272] : memref<2x10000x128xf32, #tpu.memory_space<hbm>> -> memref<1x80x128xf32, #tpu.memory_space<hbm>>
    %dma_start3A_274 = tpu.memref_squeeze %dma_start3A_273 : memref<1x80x128xf32, #tpu.memory_space<hbm>> -> memref<80x128xf32, #tpu.memory_space<hbm>>
    tpu.enqueue_dma source(%arg10 : memref<80x128xf32, #tpu.memory_space<vmem>>) target(%dma_start3A_274 : memref<80x128xf32, #tpu.memory_space<hbm>>) target_semaphore(%arg14 : memref<!tpu.dma_semaphore, #tpu.memory_space<semaphore_mem>>)
    %mul3A_275 = arith.constant 625 : i32
    %mul3A_276 = arith.muli %arg1, %mul3A_275 : i32
    %add3A_277 = arith.constant 480 : i32
    %add3A_278 = arith.addi %mul3A_276, %add3A_277 : i32
    %mul3A_279 = arith.constant 625 : i32
    %mul3A_280 = arith.muli %arg1, %mul3A_279 : i32
    %add3A_281 = arith.constant 240 : i32
    %add3A_282 = arith.addi %mul3A_280, %add3A_281 : i32
    %dma_wait3A_283 = arith.constant 0 : i32
    %dma_wait3A_284 = tpu.memref_slice %arg5[%arg0, %add3A_282, %dma_wait3A_283] : memref<2x10000x128xf32, #tpu.memory_space<hbm>> -> memref<1x80x128xf32, #tpu.memory_space<hbm>>
    %dma_wait3A_285 = tpu.memref_squeeze %dma_wait3A_284 : memref<1x80x128xf32, #tpu.memory_space<hbm>> -> memref<80x128xf32, #tpu.memory_space<hbm>>
    %dma_wait3A_286 = arith.constant 0 : i32
    %dma_wait3A_287 = tpu.memref_slice %arg5[%arg0, %add3A_282, %dma_wait3A_286] : memref<2x10000x128xf32, #tpu.memory_space<hbm>> -> memref<1x80x128xf32, #tpu.memory_space<hbm>>
    %dma_wait3A_288 = tpu.memref_squeeze %dma_wait3A_287 : memref<1x80x128xf32, #tpu.memory_space<hbm>> -> memref<80x128xf32, #tpu.memory_space<hbm>>
    tpu.wait_dma2 semaphore(%arg12 : memref<!tpu.dma_semaphore, #tpu.memory_space<semaphore_mem>>) src(%arg8 : memref<80x128xf32, #tpu.memory_space<vmem>>) dst(%dma_wait3A_288 : memref<80x128xf32, #tpu.memory_space<hbm>>)
    "tpu.region"() ({
      %run_scoped3A_357 = tpu.sem_alloc : memref<!tpu.dma_semaphore, #tpu.memory_space<semaphore_mem>>
      %dma_start3A_358 = arith.constant 0 : i32
      %dma_start3A_359 = tpu.memref_slice %arg11[%add3A_278, %dma_start3A_358] : memref<10000x128xf32, #tpu.memory_space<vmem_shared>> -> memref<80x128xf32, #tpu.memory_space<vmem_shared>>
      %dma_start3A_360 = arith.constant 0 : i32
      %dma_start3A_361 = tpu.memref_slice %arg11[%add3A_278, %dma_start3A_360] : memref<10000x128xf32, #tpu.memory_space<vmem_shared>> -> memref<80x128xf32, #tpu.memory_space<vmem_shared>>
      tpu.enqueue_dma source(%dma_start3A_361 : memref<80x128xf32, #tpu.memory_space<vmem_shared>>) target(%arg8 : memref<80x128xf32, #tpu.memory_space<vmem>>) target_semaphore(%run_scoped3A_357 : memref<!tpu.dma_semaphore, #tpu.memory_space<semaphore_mem>>)
      %dma_wait3A_362 = arith.constant 0 : i32
      %dma_wait3A_363 = tpu.memref_slice %arg11[%add3A_278, %dma_wait3A_362] : memref<10000x128xf32, #tpu.memory_space<vmem_shared>> -> memref<80x128xf32, #tpu.memory_space<vmem_shared>>
      %dma_wait3A_364 = arith.constant 0 : i32
      %dma_wait3A_365 = tpu.memref_slice %arg11[%add3A_278, %dma_wait3A_364] : memref<10000x128xf32, #tpu.memory_space<vmem_shared>> -> memref<80x128xf32, #tpu.memory_space<vmem_shared>>
      tpu.wait_dma2 semaphore(%run_scoped3A_357 : memref<!tpu.dma_semaphore, #tpu.memory_space<semaphore_mem>>) src(%dma_wait3A_365 : memref<80x128xf32, #tpu.memory_space<vmem_shared>>) dst(%arg8 : memref<80x128xf32, #tpu.memory_space<vmem>>)
      tpu.yield
    }) : () -> ()
    %dma_start3A_289 = arith.constant 0 : i32
    %dma_start3A_290 = tpu.memref_slice %arg5[%arg0, %add3A_278, %dma_start3A_289] : memref<2x10000x128xf32, #tpu.memory_space<hbm>> -> memref<1x80x128xf32, #tpu.memory_space<hbm>>
    %dma_start3A_291 = tpu.memref_squeeze %dma_start3A_290 : memref<1x80x128xf32, #tpu.memory_space<hbm>> -> memref<80x128xf32, #tpu.memory_space<hbm>>
    %dma_start3A_292 = arith.constant 0 : i32
    %dma_start3A_293 = tpu.memref_slice %arg5[%arg0, %add3A_278, %dma_start3A_292] : memref<2x10000x128xf32, #tpu.memory_space<hbm>> -> memref<1x80x128xf32, #tpu.memory_space<hbm>>
    %dma_start3A_294 = tpu.memref_squeeze %dma_start3A_293 : memref<1x80x128xf32, #tpu.memory_space<hbm>> -> memref<80x128xf32, #tpu.memory_space<hbm>>
    tpu.enqueue_dma source(%arg8 : memref<80x128xf32, #tpu.memory_space<vmem>>) target(%dma_start3A_294 : memref<80x128xf32, #tpu.memory_space<hbm>>) target_semaphore(%arg12 : memref<!tpu.dma_semaphore, #tpu.memory_space<semaphore_mem>>)
    %mul3A_295 = arith.constant 625 : i32
    %mul3A_296 = arith.muli %arg1, %mul3A_295 : i32
    %add3A_297 = arith.constant 560 : i32
    %add3A_298 = arith.addi %mul3A_296, %add3A_297 : i32
    %mul3A_299 = arith.constant 625 : i32
    %mul3A_300 = arith.muli %arg1, %mul3A_299 : i32
    %add3A_301 = arith.constant 320 : i32
    %add3A_302 = arith.addi %mul3A_300, %add3A_301 : i32
    %dma_wait3A_303 = arith.constant 0 : i32
    %dma_wait3A_304 = tpu.memref_slice %arg5[%arg0, %add3A_302, %dma_wait3A_303] : memref<2x10000x128xf32, #tpu.memory_space<hbm>> -> memref<1x80x128xf32, #tpu.memory_space<hbm>>
    %dma_wait3A_305 = tpu.memref_squeeze %dma_wait3A_304 : memref<1x80x128xf32, #tpu.memory_space<hbm>> -> memref<80x128xf32, #tpu.memory_space<hbm>>
    %dma_wait3A_306 = arith.constant 0 : i32
    %dma_wait3A_307 = tpu.memref_slice %arg5[%arg0, %add3A_302, %dma_wait3A_306] : memref<2x10000x128xf32, #tpu.memory_space<hbm>> -> memref<1x80x128xf32, #tpu.memory_space<hbm>>
    %dma_wait3A_308 = tpu.memref_squeeze %dma_wait3A_307 : memref<1x80x128xf32, #tpu.memory_space<hbm>> -> memref<80x128xf32, #tpu.memory_space<hbm>>
    tpu.wait_dma2 semaphore(%arg13 : memref<!tpu.dma_semaphore, #tpu.memory_space<semaphore_mem>>) src(%arg9 : memref<80x128xf32, #tpu.memory_space<vmem>>) dst(%dma_wait3A_308 : memref<80x128xf32, #tpu.memory_space<hbm>>)
    "tpu.region"() ({
      %run_scoped3A_357 = tpu.sem_alloc : memref<!tpu.dma_semaphore, #tpu.memory_space<semaphore_mem>>
      %dma_start3A_358 = arith.constant 0 : i32
      %dma_start3A_359 = arith.constant 0 : i32
      %dma_start3A_360 = tpu.memref_slice %arg9[%dma_start3A_358, %dma_start3A_359] : memref<80x128xf32, #tpu.memory_space<vmem>> -> memref<65x128xf32, #tpu.memory_space<vmem>>
      %dma_start3A_361 = arith.constant 0 : i32
      %dma_start3A_362 = tpu.memref_slice %arg11[%add3A_298, %dma_start3A_361] : memref<10000x128xf32, #tpu.memory_space<vmem_shared>> -> memref<65x128xf32, #tpu.memory_space<vmem_shared>>
      %dma_start3A_363 = arith.constant 0 : i32
      %dma_start3A_364 = arith.constant 0 : i32
      %dma_start3A_365 = tpu.memref_slice %arg9[%dma_start3A_363, %dma_start3A_364] : memref<80x128xf32, #tpu.memory_space<vmem>> -> memref<65x128xf32, #tpu.memory_space<vmem>>
      %dma_start3A_366 = arith.constant 0 : i32
      %dma_start3A_367 = tpu.memref_slice %arg11[%add3A_298, %dma_start3A_366] : memref<10000x128xf32, #tpu.memory_space<vmem_shared>> -> memref<65x128xf32, #tpu.memory_space<vmem_shared>>
      tpu.enqueue_dma source(%dma_start3A_367 : memref<65x128xf32, #tpu.memory_space<vmem_shared>>) target(%dma_start3A_365 : memref<65x128xf32, #tpu.memory_space<vmem>>) target_semaphore(%run_scoped3A_357 : memref<!tpu.dma_semaphore, #tpu.memory_space<semaphore_mem>>)
      %dma_wait3A_368 = arith.constant 0 : i32
      %dma_wait3A_369 = arith.constant 0 : i32
      %dma_wait3A_370 = tpu.memref_slice %arg9[%dma_wait3A_368, %dma_wait3A_369] : memref<80x128xf32, #tpu.memory_space<vmem>> -> memref<65x128xf32, #tpu.memory_space<vmem>>
      %dma_wait3A_371 = arith.constant 0 : i32
      %dma_wait3A_372 = tpu.memref_slice %arg11[%add3A_298, %dma_wait3A_371] : memref<10000x128xf32, #tpu.memory_space<vmem_shared>> -> memref<65x128xf32, #tpu.memory_space<vmem_shared>>
      %dma_wait3A_373 = arith.constant 0 : i32
      %dma_wait3A_374 = arith.constant 0 : i32
      %dma_wait3A_375 = tpu.memref_slice %arg9[%dma_wait3A_373, %dma_wait3A_374] : memref<80x128xf32, #tpu.memory_space<vmem>> -> memref<65x128xf32, #tpu.memory_space<vmem>>
      %dma_wait3A_376 = arith.constant 0 : i32
      %dma_wait3A_377 = tpu.memref_slice %arg11[%add3A_298, %dma_wait3A_376] : memref<10000x128xf32, #tpu.memory_space<vmem_shared>> -> memref<65x128xf32, #tpu.memory_space<vmem_shared>>
      tpu.wait_dma2 semaphore(%run_scoped3A_357 : memref<!tpu.dma_semaphore, #tpu.memory_space<semaphore_mem>>) src(%dma_wait3A_377 : memref<65x128xf32, #tpu.memory_space<vmem_shared>>) dst(%dma_wait3A_375 : memref<65x128xf32, #tpu.memory_space<vmem>>)
      tpu.yield
    }) : () -> ()
    %dma_start3A_309 = arith.constant 0 : i32
    %dma_start3A_310 = arith.constant 0 : i32
    %dma_start3A_311 = tpu.memref_slice %arg9[%dma_start3A_309, %dma_start3A_310] : memref<80x128xf32, #tpu.memory_space<vmem>> -> memref<65x128xf32, #tpu.memory_space<vmem>>
    %dma_start3A_312 = arith.constant 0 : i32
    %dma_start3A_313 = tpu.memref_slice %arg5[%arg0, %add3A_298, %dma_start3A_312] : memref<2x10000x128xf32, #tpu.memory_space<hbm>> -> memref<1x65x128xf32, #tpu.memory_space<hbm>>
    %dma_start3A_314 = tpu.memref_squeeze %dma_start3A_313 : memref<1x65x128xf32, #tpu.memory_space<hbm>> -> memref<65x128xf32, #tpu.memory_space<hbm>>
    %dma_start3A_315 = arith.constant 0 : i32
    %dma_start3A_316 = tpu.memref_slice %arg5[%arg0, %add3A_298, %dma_start3A_315] : memref<2x10000x128xf32, #tpu.memory_space<hbm>> -> memref<1x65x128xf32, #tpu.memory_space<hbm>>
    %dma_start3A_317 = tpu.memref_squeeze %dma_start3A_316 : memref<1x65x128xf32, #tpu.memory_space<hbm>> -> memref<65x128xf32, #tpu.memory_space<hbm>>
    %dma_start3A_318 = arith.constant 0 : i32
    %dma_start3A_319 = arith.constant 0 : i32
    %dma_start3A_320 = tpu.memref_slice %arg9[%dma_start3A_318, %dma_start3A_319] : memref<80x128xf32, #tpu.memory_space<vmem>> -> memref<65x128xf32, #tpu.memory_space<vmem>>
    tpu.enqueue_dma source(%dma_start3A_320 : memref<65x128xf32, #tpu.memory_space<vmem>>) target(%dma_start3A_317 : memref<65x128xf32, #tpu.memory_space<hbm>>) target_semaphore(%arg13 : memref<!tpu.dma_semaphore, #tpu.memory_space<semaphore_mem>>)
    %mul3A_321 = arith.constant 625 : i32
    %mul3A_322 = arith.muli %arg1, %mul3A_321 : i32
    %add3A_323 = arith.constant 400 : i32
    %add3A_324 = arith.addi %mul3A_322, %add3A_323 : i32
    %dma_wait3A_325 = arith.constant 0 : i32
    %dma_wait3A_326 = tpu.memref_slice %arg5[%arg0, %add3A_324, %dma_wait3A_325] : memref<2x10000x128xf32, #tpu.memory_space<hbm>> -> memref<1x80x128xf32, #tpu.memory_space<hbm>>
    %dma_wait3A_327 = tpu.memref_squeeze %dma_wait3A_326 : memref<1x80x128xf32, #tpu.memory_space<hbm>> -> memref<80x128xf32, #tpu.memory_space<hbm>>
    %dma_wait3A_328 = arith.constant 0 : i32
    %dma_wait3A_329 = tpu.memref_slice %arg5[%arg0, %add3A_324, %dma_wait3A_328] : memref<2x10000x128xf32, #tpu.memory_space<hbm>> -> memref<1x80x128xf32, #tpu.memory_space<hbm>>
    %dma_wait3A_330 = tpu.memref_squeeze %dma_wait3A_329 : memref<1x80x128xf32, #tpu.memory_space<hbm>> -> memref<80x128xf32, #tpu.memory_space<hbm>>
    tpu.wait_dma2 semaphore(%arg14 : memref<!tpu.dma_semaphore, #tpu.memory_space<semaphore_mem>>) src(%arg10 : memref<80x128xf32, #tpu.memory_space<vmem>>) dst(%dma_wait3A_330 : memref<80x128xf32, #tpu.memory_space<hbm>>)
    %mul3A_331 = arith.constant 625 : i32
    %mul3A_332 = arith.muli %arg1, %mul3A_331 : i32
    %add3A_333 = arith.constant 480 : i32
    %add3A_334 = arith.addi %mul3A_332, %add3A_333 : i32
    %dma_wait3A_335 = arith.constant 0 : i32
    %dma_wait3A_336 = tpu.memref_slice %arg5[%arg0, %add3A_334, %dma_wait3A_335] : memref<2x10000x128xf32, #tpu.memory_space<hbm>> -> memref<1x80x128xf32, #tpu.memory_space<hbm>>
    %dma_wait3A_337 = tpu.memref_squeeze %dma_wait3A_336 : memref<1x80x128xf32, #tpu.memory_space<hbm>> -> memref<80x128xf32, #tpu.memory_space<hbm>>
    %dma_wait3A_338 = arith.constant 0 : i32
    %dma_wait3A_339 = tpu.memref_slice %arg5[%arg0, %add3A_334, %dma_wait3A_338] : memref<2x10000x128xf32, #tpu.memory_space<hbm>> -> memref<1x80x128xf32, #tpu.memory_space<hbm>>
    %dma_wait3A_340 = tpu.memref_squeeze %dma_wait3A_339 : memref<1x80x128xf32, #tpu.memory_space<hbm>> -> memref<80x128xf32, #tpu.memory_space<hbm>>
    tpu.wait_dma2 semaphore(%arg12 : memref<!tpu.dma_semaphore, #tpu.memory_space<semaphore_mem>>) src(%arg8 : memref<80x128xf32, #tpu.memory_space<vmem>>) dst(%dma_wait3A_340 : memref<80x128xf32, #tpu.memory_space<hbm>>)
    %mul3A_341 = arith.constant 625 : i32
    %mul3A_342 = arith.muli %arg1, %mul3A_341 : i32
    %add3A_343 = arith.constant 560 : i32
    %add3A_344 = arith.addi %mul3A_342, %add3A_343 : i32
    %dma_wait3A_345 = arith.constant 0 : i32
    %dma_wait3A_346 = arith.constant 0 : i32
    %dma_wait3A_347 = tpu.memref_slice %arg9[%dma_wait3A_345, %dma_wait3A_346] : memref<80x128xf32, #tpu.memory_space<vmem>> -> memref<65x128xf32, #tpu.memory_space<vmem>>
    %dma_wait3A_348 = arith.constant 0 : i32
    %dma_wait3A_349 = tpu.memref_slice %arg5[%arg0, %add3A_344, %dma_wait3A_348] : memref<2x10000x128xf32, #tpu.memory_space<hbm>> -> memref<1x65x128xf32, #tpu.memory_space<hbm>>
    %dma_wait3A_350 = tpu.memref_squeeze %dma_wait3A_349 : memref<1x65x128xf32, #tpu.memory_space<hbm>> -> memref<65x128xf32, #tpu.memory_space<hbm>>
    %dma_wait3A_351 = arith.constant 0 : i32
    %dma_wait3A_352 = tpu.memref_slice %arg5[%arg0, %add3A_344, %dma_wait3A_351] : memref<2x10000x128xf32, #tpu.memory_space<hbm>> -> memref<1x65x128xf32, #tpu.memory_space<hbm>>
    %dma_wait3A_353 = tpu.memref_squeeze %dma_wait3A_352 : memref<1x65x128xf32, #tpu.memory_space<hbm>> -> memref<65x128xf32, #tpu.memory_space<hbm>>
    %dma_wait3A_354 = arith.constant 0 : i32
    %dma_wait3A_355 = arith.constant 0 : i32
    %dma_wait3A_356 = tpu.memref_slice %arg9[%dma_wait3A_354, %dma_wait3A_355] : memref<80x128xf32, #tpu.memory_space<vmem>> -> memref<65x128xf32, #tpu.memory_space<vmem>>
    tpu.wait_dma2 semaphore(%arg13 : memref<!tpu.dma_semaphore, #tpu.memory_space<semaphore_mem>>) src(%dma_wait3A_356 : memref<65x128xf32, #tpu.memory_space<vmem>>) dst(%dma_wait3A_353 : memref<65x128xf32, #tpu.memory_space<hbm>>)
    return
  }
}

module attributes {stable_mosaic.version = 14 : i64} {
  func.func @_tc_linear_body(%arg0: i32, %arg1: memref<2000x128xf32, #tpu.memory_space<vmem>>, %arg2: memref<128x128xf32, #tpu.memory_space<vmem>>, %arg3: memref<1x128xf32, #tpu.memory_space<vmem>>, %arg4: memref<2000x128xf32, #tpu.memory_space<vmem>>) attributes {dimension_semantics = [#tpu.dimension_semantics<arbitrary>], iteration_bounds = array<i64: 5>, scalar_prefetch = 0 : i64, scratch_operands = 0 : i64, tpu.core_type = #tpu.core_type<tc>, window_params = [{transform_indices = @transform_0, window_bounds = array<i64: 2000, 128>}, {pipeline_mode = #tpu.pipeline_mode<synchronous>, transform_indices = @transform_1, window_bounds = array<i64: 128, 128>}, {pipeline_mode = #tpu.pipeline_mode<synchronous>, transform_indices = @transform_2, window_bounds = array<i64: 1, 128>}, {transform_indices = @transform_3, window_bounds = array<i64: 2000, 128>}]} {
    %get3A = arith.constant 0 : index
    %get3A_0 = arith.constant 0 : index
    %get3A_1 = vector.load %arg2[%get3A, %get3A_0] : memref<128x128xf32, #tpu.memory_space<vmem>>, vector<128x128xf32>
    %get3A_2 = arith.constant 0 : index
    %get3A_3 = arith.constant 0 : index
    %get3A_4 = vector.load %arg3[%get3A_2, %get3A_3] : memref<1x128xf32, #tpu.memory_space<vmem>>, vector<1x128xf32>
    %dot_general3A = arith.constant dense<0.000000e+00> : vector<1x128xf32>
    %dot_general3A_5 = tpu.matmul %get3A_4, %get3A_1, %dot_general3A {dimension_numbers = #tpu.dot_dimension_numbers<[1], [0], [0], [1], [0, 0, 1, 1], [], []>, transpose_lhs_hint = false} : vector<1x128xf32>, vector<128x128xf32>, vector<1x128xf32> -> vector<1x128xf32>
    %mul3A = arith.mulf %dot_general3A_5, %dot_general3A_5 : vector<1x128xf32>
    %reduce_sum3A = vector.shape_cast %mul3A : vector<1x128xf32> to vector<1x1x128xf32>
    %reduce_sum3A_6 = arith.constant dense<0.000000e+00> : vector<1xf32>
    %reduce_sum3A_7 = vector.multi_reduction <add>, %reduce_sum3A, %reduce_sum3A_6 [1, 2] : vector<1x1x128xf32> to vector<1xf32>
    %reduce_sum3A_8 = vector.shape_cast %reduce_sum3A_7 : vector<1xf32> to vector<1x1x1xf32>
    %reduce_sum3A_9 = vector.extract %reduce_sum3A_8[0, 0, 0] : f32 from vector<1x1x1xf32>
    %sqrt3A = math.sqrt %reduce_sum3A_9 : f32
    %add3A = arith.constant 9.99999996E-13 : f32
    %add3A_10 = arith.addf %sqrt3A, %add3A : f32
    %div3A = vector.broadcast %add3A_10 : f32 to vector<1x128xf32>
    %div3A_11 = arith.divf %dot_general3A_5, %div3A : vector<1x128xf32>
    %transpose3A = tpu.transpose %get3A_1, [1, 0] : vector<128x128xf32> -> vector<128x128xf32>
    %dot_general3A_12 = arith.constant dense<0.000000e+00> : vector<1x128xf32>
    %dot_general3A_13 = tpu.matmul %div3A_11, %transpose3A, %dot_general3A_12 {dimension_numbers = #tpu.dot_dimension_numbers<[1], [0], [0], [1], [0, 0, 1, 1], [], []>, transpose_lhs_hint = false} : vector<1x128xf32>, vector<128x128xf32>, vector<1x128xf32> -> vector<1x128xf32>
    %mul3A_14 = arith.mulf %dot_general3A_13, %dot_general3A_13 : vector<1x128xf32>
    %reduce_sum3A_15 = vector.shape_cast %mul3A_14 : vector<1x128xf32> to vector<1x1x128xf32>
    %reduce_sum3A_16 = arith.constant dense<0.000000e+00> : vector<1xf32>
    %reduce_sum3A_17 = vector.multi_reduction <add>, %reduce_sum3A_15, %reduce_sum3A_16 [1, 2] : vector<1x1x128xf32> to vector<1xf32>
    %reduce_sum3A_18 = vector.shape_cast %reduce_sum3A_17 : vector<1xf32> to vector<1x1x1xf32>
    %reduce_sum3A_19 = vector.extract %reduce_sum3A_18[0, 0, 0] : f32 from vector<1x1x1xf32>
    %sqrt3A_20 = math.sqrt %reduce_sum3A_19 : f32
    %add3A_21 = arith.constant 9.99999996E-13 : f32
    %add3A_22 = arith.addf %sqrt3A_20, %add3A_21 : f32
    %div3A_23 = vector.broadcast %add3A_22 : f32 to vector<1x128xf32>
    %div3A_24 = arith.divf %dot_general3A_13, %div3A_23 : vector<1x128xf32>
    %mul3A_25 = arith.mulf %div3A_24, %dot_general3A_13 : vector<1x128xf32>
    %reduce_sum3A_26 = vector.shape_cast %mul3A_25 : vector<1x128xf32> to vector<1x1x128xf32>
    %reduce_sum3A_27 = arith.constant dense<0.000000e+00> : vector<1xf32>
    %reduce_sum3A_28 = vector.multi_reduction <add>, %reduce_sum3A_26, %reduce_sum3A_27 [1, 2] : vector<1x1x128xf32> to vector<1xf32>
    %reduce_sum3A_29 = vector.shape_cast %reduce_sum3A_28 : vector<1xf32> to vector<1x1x1xf32>
    %reduce_sum3A_30 = vector.extract %reduce_sum3A_29[0, 0, 0] : f32 from vector<1x1x1xf32>
    %get3A_31 = arith.constant 0 : index
    %get3A_32 = arith.constant 0 : index
    %get3A_33 = vector.load %arg1[%get3A_31, %get3A_32] : memref<2000x128xf32, #tpu.memory_space<vmem>>, vector<2000x128xf32>
    %dot_general3A_34 = arith.constant dense<0.000000e+00> : vector<2000x128xf32>
    %dot_general3A_35 = tpu.matmul %get3A_33, %get3A_1, %dot_general3A_34 {dimension_numbers = #tpu.dot_dimension_numbers<[1], [0], [0], [1], [0, 0, 1, 1], [], []>, transpose_lhs_hint = false} : vector<2000x128xf32>, vector<128x128xf32>, vector<2000x128xf32> -> vector<2000x128xf32>
    %div3A_36 = vector.broadcast %reduce_sum3A_30 : f32 to vector<2000x128xf32>
    %div3A_37 = arith.divf %dot_general3A_35, %div3A_36 : vector<2000x128xf32>
    %swap3A = arith.constant 0 : index
    %swap3A_38 = arith.constant 0 : index
    %swap3A_39 = vector.load %arg4[%swap3A, %swap3A_38] : memref<2000x128xf32, #tpu.memory_space<vmem>>, vector<2000x128xf32>
    tpu.vector_store %arg4[%swap3A, %swap3A_38], %div3A_37 {strides = array<i32>} : memref<2000x128xf32, #tpu.memory_space<vmem>>, vector<2000x128xf32>,
    return
  }
  func.func @transform_0(%arg0: i32) -> (i32, i32) {
    %c0_i32 = arith.constant 0 : i32
    %c0_i32_0 = arith.constant 0 : i32
    return %arg0, %c0_i32 : i32, i32
  }
  func.func @transform_1(%arg0: i32) -> (i32, i32) {
    %c0_i32 = arith.constant 0 : i32
    %c0_i32_0 = arith.constant 0 : i32
    %c0_i32_1 = arith.constant 0 : i32
    return %c0_i32, %c0_i32_0 : i32, i32
  }
  func.func @transform_2(%arg0: i32) -> (i32, i32) {
    %c0_i32 = arith.constant 0 : i32
    %c0_i32_0 = arith.constant 0 : i32
    %c0_i32_1 = arith.constant 0 : i32
    return %c0_i32, %c0_i32_0 : i32, i32
  }
  func.func @transform_3(%arg0: i32) -> (i32, i32) {
    %c0_i32 = arith.constant 0 : i32
    %c0_i32_0 = arith.constant 0 : i32
    return %arg0, %c0_i32 : i32, i32
  }
}

module attributes {stable_mosaic.version = 14 : i64} {
  func.func @_tc_scale_body(%arg0: i32, %arg1: memref<2000x128xf32, #tpu.memory_space<vmem>>, %arg2: memref<2000x2xf32, #tpu.memory_space<vmem>>, %arg3: memref<2000x128xf32, #tpu.memory_space<vmem>>) attributes {dimension_semantics = [#tpu.dimension_semantics<arbitrary>], iteration_bounds = array<i64: 5>, scalar_prefetch = 0 : i64, scratch_operands = 0 : i64, tpu.core_type = #tpu.core_type<tc>, window_params = [{transform_indices = @transform_0, window_bounds = array<i64: 2000, 128>}, {transform_indices = @transform_1, window_bounds = array<i64: 2000, 2>}, {transform_indices = @transform_2, window_bounds = array<i64: 2000, 128>}]} {
    %get3A = arith.constant 0 : index
    %get3A_0 = arith.constant 0 : index
    %get3A_1 = vector.load %arg2[%get3A, %get3A_0] : memref<2000x2xf32, #tpu.memory_space<vmem>>, vector<2000x1xf32>
    %get3A_2 = arith.constant 0 : index
    %get3A_3 = arith.constant 1 : index
    %get3A_4 = vector.load %arg2[%get3A_2, %get3A_3] : memref<2000x2xf32, #tpu.memory_space<vmem>>, vector<2000x1xf32>
    %add3A = arith.addf %get3A_1, %get3A_4 : vector<2000x1xf32>
    %add3A_5 = arith.constant 1.000000e+00 : f32
    %add3A_6 = vector.broadcast %add3A_5 : f32 to vector<2000x1xf32>
    %add3A_7 = arith.addf %add3A, %add3A_6 : vector<2000x1xf32>
    %get3A_8 = arith.constant 0 : index
    %get3A_9 = arith.constant 0 : index
    %get3A_10 = vector.load %arg1[%get3A_8, %get3A_9] : memref<2000x128xf32, #tpu.memory_space<vmem>>, vector<2000x128xf32>
    %rsqrt3A = math.rsqrt %add3A_7 : vector<2000x1xf32>
    %mul3A = vector.broadcast %rsqrt3A : vector<2000x1xf32> to vector<2000x128xf32>
    %mul3A_11 = arith.mulf %get3A_10, %mul3A : vector<2000x128xf32>
    %swap3A = arith.constant 0 : index
    %swap3A_12 = arith.constant 0 : index
    %swap3A_13 = vector.load %arg3[%swap3A, %swap3A_12] : memref<2000x128xf32, #tpu.memory_space<vmem>>, vector<2000x128xf32>
    tpu.vector_store %arg3[%swap3A, %swap3A_12], %mul3A_11 {strides = array<i32>} : memref<2000x128xf32, #tpu.memory_space<vmem>>, vector<2000x128xf32>,
    return
  }
  func.func @transform_0(%arg0: i32) -> (i32, i32) {
    %c0_i32 = arith.constant 0 : i32
    %c0_i32_0 = arith.constant 0 : i32
    return %arg0, %c0_i32 : i32, i32
  }
  func.func @transform_1(%arg0: i32) -> (i32, i32) {
    %c0_i32 = arith.constant 0 : i32
    %c0_i32_0 = arith.constant 0 : i32
    return %arg0, %c0_i32 : i32, i32
  }
  func.func @transform_2(%arg0: i32) -> (i32, i32) {
    %c0_i32 = arith.constant 0 : i32
    %c0_i32_0 = arith.constant 0 : i32
    return %arg0, %c0_i32 : i32, i32
  }
}

module attributes {stable_mosaic.version = 14 : i64} {
  func.func @_tc_combine_body(%arg0: i32, %arg1: memref<2x2000x128xf32, #tpu.memory_space<vmem>>, %arg2: memref<2000x128xf32, #tpu.memory_space<vmem>>, %arg3: memref<2000x2xf32, #tpu.memory_space<vmem>>, %arg4: memref<1x128xf32, #tpu.memory_space<vmem>>, %arg5: memref<1x1xf32, #tpu.memory_space<vmem>>, %arg6: memref<2000x128xf32, #tpu.memory_space<vmem>>) attributes {dimension_semantics = [#tpu.dimension_semantics<arbitrary>], iteration_bounds = array<i64: 5>, scalar_prefetch = 0 : i64, scratch_operands = 0 : i64, tpu.core_type = #tpu.core_type<tc>, window_params = [{transform_indices = @transform_0, window_bounds = array<i64: 2, 2000, 128>}, {transform_indices = @transform_1, window_bounds = array<i64: 2000, 128>}, {transform_indices = @transform_2, window_bounds = array<i64: 2000, 2>}, {pipeline_mode = #tpu.pipeline_mode<synchronous>, transform_indices = @transform_3, window_bounds = array<i64: 1, 128>}, {pipeline_mode = #tpu.pipeline_mode<synchronous>, transform_indices = @transform_4, window_bounds = array<i64: 1, 1>}, {transform_indices = @transform_5, window_bounds = array<i64: 2000, 128>}]} {
    %get3A = arith.constant 0 : index
    %get3A_0 = arith.constant 0 : index
    %get3A_1 = arith.constant 0 : index
    %get3A_2 = vector.load %arg1[%get3A, %get3A_0, %get3A_1] : memref<2x2000x128xf32, #tpu.memory_space<vmem>>, vector<1x2000x128xf32>
    %get3A_3 = vector.shape_cast %get3A_2 : vector<1x2000x128xf32> to vector<2000x128xf32>
    %get3A_4 = arith.constant 1 : index
    %get3A_5 = arith.constant 0 : index
    %get3A_6 = arith.constant 0 : index
    %get3A_7 = vector.load %arg1[%get3A_4, %get3A_5, %get3A_6] : memref<2x2000x128xf32, #tpu.memory_space<vmem>>, vector<1x2000x128xf32>
    %get3A_8 = vector.shape_cast %get3A_7 : vector<1x2000x128xf32> to vector<2000x128xf32>
    %add3A = arith.addf %get3A_3, %get3A_8 : vector<2000x128xf32>
    %get3A_9 = arith.constant 0 : index
    %get3A_10 = arith.constant 0 : index
    %get3A_11 = vector.load %arg2[%get3A_9, %get3A_10] : memref<2000x128xf32, #tpu.memory_space<vmem>>, vector<2000x128xf32>
    %add3A_12 = arith.addf %add3A, %get3A_11 : vector<2000x128xf32>
    %get3A_13 = arith.constant 0 : index
    %get3A_14 = arith.constant 0 : index
    %get3A_15 = vector.load %arg3[%get3A_13, %get3A_14] : memref<2000x2xf32, #tpu.memory_space<vmem>>, vector<2000x1xf32>
    %get3A_16 = arith.constant 0 : index
    %get3A_17 = arith.constant 1 : index
    %get3A_18 = vector.load %arg3[%get3A_16, %get3A_17] : memref<2000x2xf32, #tpu.memory_space<vmem>>, vector<2000x1xf32>
    %add3A_19 = arith.addf %get3A_15, %get3A_18 : vector<2000x1xf32>
    %add3A_20 = arith.constant 1.000000e+00 : f32
    %add3A_21 = vector.broadcast %add3A_20 : f32 to vector<2000x1xf32>
    %add3A_22 = arith.addf %add3A_19, %add3A_21 : vector<2000x1xf32>
    %rsqrt3A = math.rsqrt %add3A_22 : vector<2000x1xf32>
    %mul3A = vector.broadcast %rsqrt3A : vector<2000x1xf32> to vector<2000x128xf32>
    %mul3A_23 = arith.mulf %add3A_12, %mul3A : vector<2000x128xf32>
    %get3A_24 = arith.constant 0 : index
    %get3A_25 = arith.constant 0 : index
    %get3A_26 = vector.load %arg4[%get3A_24, %get3A_25] : memref<1x128xf32, #tpu.memory_space<vmem>>, vector<1x128xf32>
    %add3A_27 = vector.broadcast %get3A_26 : vector<1x128xf32> to vector<2000x128xf32>
    %add3A_28 = arith.addf %mul3A_23, %add3A_27 : vector<2000x128xf32>
    %get3A_29 = arith.constant 0 : index
    %get3A_30 = arith.constant 0 : index
    %get3A_31 = vector.load %arg5[%get3A_29, %get3A_30] : memref<1x1xf32, #tpu.memory_space<vmem>>, vector<1x1xf32>
    %get3A_32 = vector.extract %get3A_31[0, 0] : f32 from vector<1x1xf32>
    %ge3A = arith.constant 0.000000e+00 : f32
    %ge3A_33 = vector.broadcast %ge3A : f32 to vector<2000x128xf32>
    %ge3A_34 = arith.cmpf oge, %add3A_28, %ge3A_33 : vector<2000x128xf32>
    %mul3A_35 = vector.broadcast %get3A_32 : f32 to vector<2000x128xf32>
    %mul3A_36 = arith.mulf %mul3A_35, %add3A_28 : vector<2000x128xf32>
    %select_n3A = arith.select %ge3A_34, %add3A_28, %mul3A_36 : vector<2000x128xi1>, vector<2000x128xf32>
    %swap3A = arith.constant 0 : index
    %swap3A_37 = arith.constant 0 : index
    %swap3A_38 = vector.load %arg6[%swap3A, %swap3A_37] : memref<2000x128xf32, #tpu.memory_space<vmem>>, vector<2000x128xf32>
    tpu.vector_store %arg6[%swap3A, %swap3A_37], %select_n3A {strides = array<i32>} : memref<2000x128xf32, #tpu.memory_space<vmem>>, vector<2000x128xf32>,
    return
  }
  func.func @transform_0(%arg0: i32) -> (i32, i32, i32) {
    %c0_i32 = arith.constant 0 : i32
    %c0_i32_0 = arith.constant 0 : i32
    %c0_i32_1 = arith.constant 0 : i32
    return %c0_i32, %arg0, %c0_i32_0 : i32, i32, i32
  }
  func.func @transform_1(%arg0: i32) -> (i32, i32) {
    %c0_i32 = arith.constant 0 : i32
    %c0_i32_0 = arith.constant 0 : i32
    return %arg0, %c0_i32 : i32, i32
  }
  func.func @transform_2(%arg0: i32) -> (i32, i32) {
    %c0_i32 = arith.constant 0 : i32
    %c0_i32_0 = arith.constant 0 : i32
    return %arg0, %c0_i32 : i32, i32
  }
  func.func @transform_3(%arg0: i32) -> (i32, i32) {
    %c0_i32 = arith.constant 0 : i32
    %c0_i32_0 = arith.constant 0 : i32
    %c0_i32_1 = arith.constant 0 : i32
    return %c0_i32, %c0_i32_0 : i32, i32
  }
  func.func @transform_4(%arg0: i32) -> (i32, i32) {
    %c0_i32 = arith.constant 0 : i32
    %c0_i32_0 = arith.constant 0 : i32
    %c0_i32_1 = arith.constant 0 : i32
    return %c0_i32, %c0_i32_0 : i32, i32
  }
  func.func @transform_5(%arg0: i32) -> (i32, i32) {
    %c0_i32 = arith.constant 0 : i32
    %c0_i32_0 = arith.constant 0 : i32
    return %arg0, %c0_i32 : i32, i32
  }
}

</mosaic_0001>

<sc_bundles>
// kernel: kernel.10.cloned.1.call-start
scs
__scs_entry_jumppad:
0x0: {  	(pc) =	sbr.rel $0x88, $3  }
0x1: {  	(tag) =	ssettag $0x0;
	lr =	simm.s32 $0x1  }
0x2: {  	[smem:$0x3F9B] =	sst lr;
	_ =	strace $0xD0000000  }
0x3: {  	_ = 	snop  }
0x4: {  	_ = 	snop  }
0x5: {  	_ = 	snop  }
0x6: {  	_ = 	snop  }
0x7: {  	_ = 	snop  }
__scs_overlays_trampoline_lowered:
0x8: {  	[smem:$0x3FAA] =	sst s0  }
0x9: {  	[smem:$0x3FAB] =	sst s1  }
0xa: {  	[smem:$0x3FAC] =	sst s2  }
0xb: {  	[smem:$0x3FAD] =	sst s3  }
0xc: {  	[smem:$0x3FAE] =	sst s4  }
0xd: {  	[smem:$0x3FAF] =	sst s5  }
0xe: {  	[smem:$0x3FB0] =	sst s6  }
0xf: {  	[smem:$0x3FB1] =	sst s7  }
0x10: {  	[smem:$0x3FB2] =	sst s8  }
0x11: {  	[smem:$0x3FB3] =	sst s9;
	s0 =	simm.s32 @!p0 $0x0  }
0x12: {  	s1 =	sld [smem:$0x3F99];
	s0 =	simm.s32 @p0 $0x1  }
0x13: {  	[smem:$0x3FB4] =	sst s0;
	s0 =	simm.s32 @!p1 $0x0  }
0x14: {  	s2 =	sld [smem:$0x3F98];
	s0 =	simm.s32 @p1 $0x1  }
0x15: {  	[smem:$0x3FB5] =	sst s0;
	s0 =	simm.s32 @!p2 $0x0  }
0x16: {  	s3 =	sld [smem:$0x3FDB];
	s0 =	simm.s32 @p2 $0x1  }
0x17: {  	s4 =	simm.s32 $0x1BF5;
	[smem:$0x3FB7] =	sst s0  }
0x18: {  	s0 =	sld [smem:$0x3F9A];
	_ =	swait.ge [sflag:s4], $0x0  }
0x19: {  	s7 =	sld [smem:$0x3F9B]  }
0x1a: {  	s8 =	sadd.s32 $0xFFFFE003, lr  }
0x1b: {  	s9 =	sadd.s32 $0xFFFFFEF7, lr;
	s5 =	simm.s32 $0xFFFFFFFF;
	p2 =	slt.u32 s8, $0xFFFFF086  }
0x1c: {  	p1 =	slt.u32 s9, $0xF7A;
	s5 =	simm.s32 @!p2 $0x0  }
0x1d: {  	s5 =	simm.s32 @p1 $0x1;
	p0 =	seq.s32 s7, s2  }
0x1e: {  	s7 =	smul.u32 @!p0 $0xF7A, s2;
	p2 =	seq.s32 @!p0 s5, $0x0  }
0x1f: {  	s9 =	smul.u32 $0xF7A, s1;
	s8 =	simm.s32 @!p0 $0x1BF5;
	p2 =	por !p2, p0  }
0x20: {  	[sflag:s8] =	ssyncset.s32 @!p0 $0xFFFFF086;
	s6 =	sadd.s32 @!p0 s3, s7;
	s7 =	simm.s32 @!p0 $0x108  }
0x21: {  	s3 =	sadd.s32 s3, s9;
	s6 =	sadd.s32 @!p0 $0x88, s6;
	s7 =	simm.s32 @p2 $0x1082  }
0x22: {  	[simem:s7], [sflag:s8] =	dma.local @!p0 [hbm:s6], $0xF7A  }
0x23: {  	s9 =	sor.u32 $0xD0000000, s2;
	s6 =	simm.s32 $0x108;
	_ =	swait.ge @!p0 [sflag:s8], $0x0  }
0x24: {  	s3 =	sadd.s32 $0x88, s3;
	s6 =	simm.s32 @!p1 $0x1082;
	[sflag:s4] =	ssyncset.s32 $0xFFFFF086  }
0x25: {  	[simem:s6], [sflag:s4] =	dma.local [hbm:s3], $0xF7A  }
0x26: {  	[smem:$0x3F9B] =	sst s1;
	(tag) =	ssettag s2;
	_ =	strace s9  }
0x27: {  	s1 =	sld [smem:$0x3FAB]  }
0x28: {  	s2 =	sld [smem:$0x3FAC]  }
0x29: {  	s4 =	sld [smem:$0x3FAE]  }
0x2a: {  	p0 =	seq.s32 s5, $0x0;
	s5 =	sld [smem:$0x3FAF]  }
0x2b: {  	s6 =	sld [smem:$0x3FB0]  }
0x2c: {  	s7 =	sld [smem:$0x3FB1]  }
0x2d: {  	s3 =	simm.s32 $0x108;
	s8 =	sld [smem:$0x3FB2]  }
0x2e: {  	s3 =	simm.s32 @!p0 $0x1082;
	s9 =	sld [smem:$0x3FB3]  }
0x2f: {  	lr =	sadd.s32 s0, s3;
	s0 =	sld [smem:$0x3FAA]  }
0x30: {  	s3 =	sld [smem:$0x3FAD]  }
0x31: {  	[smem:$0x3FB6] =	sst s10  }
0x32: {  	s10 =	sld [smem:$0x3FB4];
	_ =	sdelay $0x3  }
0x33: {  	p0 =	seq.s32 s10, $0x1;
	s10 =	sld [smem:$0x3FB6];
	_ =	sdelay $0x3  }
0x34: {  	[smem:$0x3FB6] =	sst s10  }
0x35: {  	s10 =	sld [smem:$0x3FB5];
	_ =	sdelay $0x3  }
0x36: {  	p1 =	seq.s32 s10, $0x1;
	s10 =	sld [smem:$0x3FB6];
	_ =	sdelay $0x3  }
0x37: {  	[smem:$0x3FB6] =	sst s10  }
0x38: {  	s10 =	sld [smem:$0x3FB7]  }
0x39: {  	_ = 	snop;
	(pc) =	sbr.ind lr, $3  }
0x3a: {  	_ = 	snop  }
0x3b: {  	_ = 	snop  }
0x3c: {  	p2 =	seq.s32 s10, $0x1;
	s10 =	sld [smem:$0x3FB6]  }
0x3d: {  	_ =	shalt  }
0x3e: {  	_ =	shalt  }
0x3f: {  	_ =	shalt  }
0x40: {  	_ =	shalt  }
0x41: {  	_ =	shalt  }
0x42: {  	_ =	shalt  }
0x43: {  	_ =	shalt  }
0x44: {  	_ =	shalt  }
0x45: {  	_ =	shalt  }
0x46: {  	_ =	shalt  }
0x47: {  	_ =	shalt  }
0x48: {  	_ =	shalt  }
0x49: {  	_ =	shalt  }
0x4a: {  	_ =	shalt  }
0x4b: {  	_ =	shalt  }
0x4c: {  	_ =	shalt  }
0x4d: {  	_ =	shalt  }
0x4e: {  	_ =	shalt  }
0x4f: {  	_ =	shalt  }
0x50: {  	_ =	shalt  }
0x51: {  	_ =	shalt  }
0x52: {  	_ =	shalt  }
0x53: {  	_ =	shalt  }
0x54: {  	_ =	shalt  }
0x55: {  	_ =	shalt  }
0x56: {  	_ =	shalt  }
0x57: {  	_ =	shalt  }
0x58: {  	_ =	shalt  }
0x59: {  	_ =	shalt  }
0x5a: {  	_ =	shalt  }
0x5b: {  	_ =	shalt  }
0x5c: {  	_ =	shalt  }
0x5d: {  	_ =	shalt  }
0x5e: {  	_ =	shalt  }
0x5f: {  	_ =	shalt  }
0x60: {  	_ =	shalt  }
0x61: {  	_ =	shalt  }
0x62: {  	_ =	shalt  }
0x63: {  	_ =	shalt  }
0x64: {  	_ =	shalt  }
0x65: {  	_ =	shalt  }
0x66: {  	_ =	shalt  }
0x67: {  	_ =	shalt  }
0x68: {  	_ =	shalt  }
0x69: {  	_ =	shalt  }
0x6a: {  	_ =	shalt  }
0x6b: {  	_ =	shalt  }
0x6c: {  	_ =	shalt  }
0x6d: {  	_ =	shalt  }
0x6e: {  	_ =	shalt  }
0x6f: {  	_ =	shalt  }
0x70: {  	_ =	shalt  }
0x71: {  	_ =	shalt  }
0x72: {  	_ =	shalt  }
0x73: {  	_ =	shalt  }
0x74: {  	_ =	shalt  }
0x75: {  	_ =	shalt  }
0x76: {  	_ =	shalt  }
0x77: {  	_ =	shalt  }
0x78: {  	_ =	shalt  }
0x79: {  	_ =	shalt  }
0x7a: {  	_ =	shalt  }
0x7b: {  	_ =	shalt  }
0x7c: {  	_ =	shalt  }
0x7d: {  	_ =	shalt  }
0x7e: {  	_ =	shalt  }
0x7f: {  	_ =	shalt  }
0x80: {  	_ =	shalt  }
0x81: {  	_ =	shalt  }
0x82: {  	_ =	shalt  }
0x83: {  	_ =	shalt  }
0x84: {  	_ =	shalt  }
0x85: {  	_ =	shalt  }
0x86: {  	_ =	shalt  }
0x87: {  	_ =	shalt  }
.Lfunc_end0:
.L_simem_size_0:
called_computation.1_lowered:
.L_overlay_start_0:
0x88: {  	s2 =	sld [smem:$0x3FD9]  }
0x89: {  	s3 =	sld [smem:$0x3FFE];
	_ =	sdelay $0x1  }
0x8a: {  	s1 =	srdreg.scid  }
0x8b: {  	s0 =	sand.u32 $0x1, s1  }
0x8c: {  	s17 =	sshll.u32 s0, $0xA;
	s2 =	sadd.s32 s3, s2  }
0x8d: {  	s2 =	sadd.s32 s2, s17  }
0x8e: {  	[smem:$0x3FC2] =	sst s2  }
0x8f: {  	_ = 	snop  }
0x90: {  	s2 =	sld [smem:$0x3FD0];
	(tm) =	ssettm $0x1  }
0x91: {  	s18 =	sld [smem:$0x3FFB];
	_ =	sdelay $0x3  }
0x92: {  	_ =	strace s18  }
0x93: {  	s3 =	sld [smem:$0x3FFC];
	_ =	sdelay $0x3  }
0x94: {  	_ =	strace s3  }
0x95: {  	s3 =	sld [smem:$0x3FFD];
	_ =	sdelay $0x3  }
0x96: {  	_ =	strace s3  }
0x97: {  	_ =	strace $0x8FFFFFFF  }
0x98: {  	s19 =	sld [smem:$0x3FDB];
	_ =	sdelay $0x1  }
0x99: {  	s4 =	simm.s32 $_scs_section_size  }
0x9a: {  	s5 =	simm.s32 $_size__tile_overlayer_lowered;
	s6 =	simm.s32 $_tile_overlayer_lowered  }
0x9b: {  	s22 =	simm.s32 $0x1BFF;
	s21 =	sshll.u32 s6, $0x1;
	s3 =	sadd.s32 s4, s19  }
0x9c: {  	s7 =	simm.s32 $0x0;
	s20 =	sshll.u32 s5, $0x1;
	s5 =	sadd.s32 s21, s3  }
0x9d: {  	[timem:s7], [sflag:s22] =	dma.local [hbm:s5], s20  }
0x9e: {  	_ =	swait.ge [sflag:s22], s20  }
0x9f: {  	s4 =	ssub.s32 $0x0, s20;
	[sflag:s22] =	ssyncset.done $0x0  }
0xa0: {  	[sflag:s22] =	ssyncadd.s32 s4;
	_ =	sdelay $0x1  }
0xa1: {  	s23 =	simm.s32 $0x1B8B  }
0xa2: {  	_ =	swait.ge [sflag:s23], $0x1  }
0xa3: {  	[sflag:s23] =	ssyncset.done $0x0  }
0xa4: {  	s25 =	simm.s32 $0x1B8E;
	s24 =	sld [smem:$0x3FFE];
	[sflag:s23] =	ssyncadd.s32 $0xFFFFFFFF  }
0xa5: {  	s26 =	simm.s32 $execute0_lowered;
	[smem:$0x3FD2] =	sst s25  }
0xa6: {  	s5 =	sshll.u32 s26, $0x1;
	_ =	strace $0x80000049;
	[dreg:$0x1] =	wrdreg $0xFFFFFFFF  }
0xa7: {  	s28 =	simm.s32 $_size_execute0_lowered;
	s3 =	sadd.s32 s3, s5;
	[dreg:$0x0] =	wrdreg $0x0  }
0xa8: {  	s5 =	sshll.u32 s28, $0x1;
	[dreg:$0x2] =	wrdreg s3  }
0xa9: {  	[dreg:$0x3] =	wrdreg s5  }
0xaa: {  	[dreg:$0x4] =	wrdreg $0xC0  }
0xab: {  	_ =	task [dreg:s7], $0x5FFFF  }
0xac: {  	[dreg:$0x1] =	wrdreg $0xFFFFFFFF  }
0xad: {  	[dreg:$0x0] =	wrdreg $0x60  }
0xae: {  	[dreg:$0x2] =	wrdreg s24  }
0xaf: {  	[dreg:$0x3] =	wrdreg s2  }
0xb0: {  	[dreg:$0x4] =	wrdreg $0xC6200  }
0xb1: {  	[dreg:$0x5] =	wrdreg $0x9  }
0xb2: {  	_ =	task.clear_ibuf [dreg:s7], $0x6FFFF;
	_ =	strace $0x90000049  }
0xb3: {  	s29 =	simm.s32 $0x9;
	_ =	strace $0x8000004B  }
0xb4: {  	_ =	swait.ge [sflag:s29], $0x1  }
0xb5: {  	[sflag:s29] =	ssyncadd.s32 $0xFFFFFFFF  }
0xb6: {  	_ =	strace $0x9000004B  }
0xb7: {  	_ =	sfence  }
0xb8: {  	s30 =	sld [smem:$0x0];
	_ =	sdelay $0x2  }
0xb9: {  	s31 =	sshll.u32 s1, $0xD;
	s1 =	sshrl.u32 s1, $0x2  }
0xba: {  	s3 =	sand.u32 $0x4000, s31;
	s1 =	sadd.s32 s1, s30  }
0xbb: {  	s0 =	sor.u32 s3, s0;
	s1 =	sshll.u32 s1, $0x11  }
0xbc: {  	s0 =	sor.u32 s1, s0  }
0xbd: {  	s0 =	sadd.s32 $0x8F2B, s0  }
0xbe: {  	[sflag:s0] =	ssyncadd.remote.s32 $0x1  }
0xbf: {  	_ =	sfence.sel $0xFFFF  }
0xc0: {  	[dreg:$0x0] =	wrdreg $0xFFFFFFFF;
	(pc) =	sbr.abs _section_cstart, $3  }
0xc1: {  	[dreg:$0x1] =	wrdreg $0xFFFFFFFF  }
0xc2: {  	_ =	task.clear_ibuf [dreg:s7], $0x2FFFF;
	_ =	strace $0x9FFFFFFF  }
0xc3: {  	(tm) =	ssettm $0x7FFFFFFF  }
tec
execute0_lowered:
.L_overlay_start_1:
0x0: {  	(tag) =	ssettag $0x1  }
0x1: {  	s0 =	srdreg.scid  }
0x2: {  	s1 =	rddreg [dreg:$0x0];
	s8 =	stileid.u32  }
0x3: {  	s2 =	rddreg [dreg:$0x1];
	s29 =	simm.s32 $0x4;
	s30 =	simm.s32 $0x50  }
0x4: {  	s31 =	simm.s32 $0x7620;
	s28 =	simm.s32 $0x2;
	s0 =	sand.u32 $0x1, s0  }
0x5: {  	s7 =	sadd.s32 $0x15600, s1;
	s15 =	smul.u32 $0x13880, s8;
	s3 =	sshll.u32 s0, $0x4  }
0x6: {  	s6 =	ssub.s32 $0x2, s0;
	s0 =	smul.u32 $0x138800, s0;
	s4 =	sor.u32 s8, s3  }
0x7: {  	s3 =	rddreg [dreg:$0x2];
	s22 =	sshrl.u32 s6, $0x1;
	s24 =	sadd.s32 $0x2800, s15  }
0x8: {  	s25 =	sadd.s32 $0x5000, s15;
	s16 =	sadd.s32 $0x7800, s15;
	s17 =	sadd.s32 $0xA000, s15  }
0x9: {  	s18 =	sadd.s32 $0xC800, s15;
	s19 =	sadd.s32 $0xF000, s15;
	s20 =	sadd.s32 $0x11800, s15  }
0xa: {  	s5 =	smul.u32 $0x2710, s4;
	s4 =	simm.s32 $0x0;
	s6 =	ssub.s32 s6, s22  }
0xb: {  	s8 =	sadd.s32 s15, s3;
	s9 =	sadd.s32 s24, s3;
	s10 =	sadd.s32 s25, s3  }
0xc: {  	s11 =	sadd.s32 s16, s3;
	s12 =	sadd.s32 s17, s3;
	s13 =	sadd.s32 s18, s3  }
0xd: {  	s14 =	sadd.s32 s19, s3;
	s21 =	sadd.s32 s15, s0;
	s16 =	sadd.s32 s0, s16  }
0xe: {  	s17 =	sadd.s32 s0, s17;
	s18 =	sadd.s32 s0, s18;
	s19 =	sadd.s32 s0, s19  }
0xf: {  	s15 =	sadd.s32 s20, s3;
	[smem:$0x7FF] =	sst s4;
	s26 =	sshrl.u32 s21, $0x3  }
0x10: {  	s22 =	sshrl.u32 s16, $0x3;
	s16 =	simm.s32 $0x0;
	s5 =	sshrl.u32 s5, $0x3  }
0x11: {  	_ =	strace $0x8000004A;
	[dreg:$0x4] =	wrdreg s7;
	s5 =	sadd.s32 s5, s1  }
0x12: {  	s7 =	sadd.s32 s0, s25;
	s25 =	sshrl.u32 s18, $0x3;
	s23 =	sadd.s32 $0x1C00, s5  }
0x13: {  	s1 =	sadd.s32 $0x15C00, s1;
	s5 =	sadd.s32 $0xB840, s5;
	[dreg:$0x5] =	wrdreg s23  }
0x14: {  	s21 =	sshrl.u32 s7, $0x3;
	s7 =	simm.s32 $0x6;
	[dreg:$0x6] =	wrdreg s5  }
0x15: {  	s5 =	sadd.s32 s0, s24;
	s0 =	sadd.s32 s0, s20;
	s20 =	sadd.s32 s1, s26  }
0x16: {  	s23 =	sshrl.u32 s17, $0x3;
	s26 =	sshrl.u32 s19, $0x3;
	s5 =	sshrl.u32 s5, $0x3  }
0x17: {  	[dreg:$0x7] =	wrdreg s20;
	s24 =	sadd.s32 s1, s23;
	s0 =	sshrl.u32 s0, $0x3  }
0x18: {  	s5 =	sadd.s32 s1, s5;
	[dreg:$0xb] =	wrdreg s24;
	s23 =	sadd.s32 s1, s0  }
.Ltmp0:
0x19: {  	s24 =	smax.u32 s6, $0x1;
	s0 =	simm.s32 $0x9E20;
	(pc) =	sbr.rel .LBB2_1-.Ltmp0, $4  }
0x1a: {  	s6 =	simm.s32 $0x5;
	[dreg:$0x8] =	wrdreg s5;
	s5 =	sadd.s32 s1, s21  }
0x1b: {  	s21 =	sadd.s32 s1, s25;
	s25 =	simm.s32 $0x4E20;
	[dreg:$0x9] =	wrdreg s5  }
0x1c: {  	s5 =	sadd.s32 s1, s22;
	s22 =	sadd.s32 s1, s26;
	s26 =	simm.s32 $0x7  }
0x1d: {  	s1 =	simm.s32 $0x1;
	[dreg:$0xa] =	wrdreg s5;
	s5 =	simm.s32 $0x3  }
.LBB2_7:
0x1e: {  	_ =	swait.ge [sflag:s1], $0x2800  }
0x1f: {  	[sflag:s1] =	ssyncset.done $0x0  }
0x20: {  	s17 =	simm.s32 $0x4D80;
	[sflag:s1] =	ssyncadd.s32 $0xFFFFD800  }
0x21: {  	[spmem:s3] =	stream.indirect.scatter.add.f32 [tilespmem:s25], [sflag:$0x4], $0x80, s17, s30, $0xb8;
	[tilespmem:$0x1FEA0] =	vst v63  }
0x22: {  	_ =	swait.ge [sflag:s28], $0x2800  }
0x23: {  	[sflag:s28] =	ssyncset.done $0x0  }
0x24: {  	s18 =	simm.s32 $0x4DD0;
	[sflag:s28] =	ssyncadd.s32 $0xFFFFD800  }
0x25: {  	[spmem:s3] =	stream.indirect.scatter.add.f32 [tilespmem:s31], [sflag:$0x5], $0x80, s18, s30, $0xb8;
	[tilespmem:$0x1FEA0] =	vst v63  }
0x26: {  	_ =	swait.ge [sflag:s29], $0x2800  }
0x27: {  	[sflag:s29] =	ssyncset.done $0x0  }
0x28: {  	[sflag:s29] =	ssyncadd.s32 $0xFFFFD800  }
0x29: {  	_ =	swait.ge [sflag:s6], $0x2800  }
0x2a: {  	[sflag:s6] =	ssyncset.done $0x0  }
0x2b: {  	[sflag:s6] =	ssyncadd.s32 $0xFFFFD800  }
0x2c: {  	_ =	swait.ge [sflag:s7], $0x2800  }
0x2d: {  	[sflag:s7] =	ssyncset.done $0x0  }
0x2e: {  	[sflag:s7] =	ssyncadd.s32 $0xFFFFD800  }
0x2f: {  	[bflag:$0x0] =	sbarrier.arrive $0xFFFF  }
0x30: {  	[tilespmem:s25], [sflag:$0x7] =	stream.linear.gather [spmem:s8], $0x2800, $0x38;
	[tilespmem:$0x1FEA0] =	vst v63  }
0x31: {  	_ =	swait.ge [sflag:s26], $0x2800  }
0x32: {  	[sflag:s26] =	ssyncset.done $0x0  }
0x33: {  	s19 =	rddreg [dreg:$0x7];
	[sflag:s26] =	ssyncadd.s32 $0xFFFFD800  }
0x34: {  	[hbm4b:s19+s4] =	stream.linear.scatter [tilespmem:s25], [sflag:$0x1], $0x2800, $0x38;
	[tilespmem:$0x1FEA0] =	vst v63  }
0x35: {  	_ = 	snop  }
0x36: {  	[tilespmem:s31], [sflag:$0x7] =	stream.linear.gather [spmem:s9], $0x2800, $0x38;
	[tilespmem:$0x1FEA0] =	vst v63  }
0x37: {  	_ =	swait.ge [sflag:s26], $0x2800  }
0x38: {  	[sflag:s26] =	ssyncset.done $0x0  }
0x39: {  	s20 =	rddreg [dreg:$0x8];
	[sflag:s26] =	ssyncadd.s32 $0xFFFFD800  }
0x3a: {  	[hbm4b:s20+s4] =	stream.linear.scatter [tilespmem:s31], [sflag:$0x2], $0x2800, $0x38;
	[tilespmem:$0x1FEA0] =	vst v63  }
0x3b: {  	_ = 	snop  }
0x3c: {  	[tilespmem:s0], [sflag:$0x7] =	stream.linear.gather [spmem:s10], $0x2800, $0x38;
	[tilespmem:$0x1FEA0] =	vst v63  }
0x3d: {  	_ =	swait.ge [sflag:s26], $0x2800  }
0x3e: {  	[sflag:s26] =	ssyncset.done $0x0  }
0x3f: {  	s18 =	rddreg [dreg:$0x9];
	[sflag:s26] =	ssyncadd.s32 $0xFFFFD800  }
0x40: {  	[hbm4b:s18+s4] =	stream.linear.scatter [tilespmem:s0], [sflag:$0x3], $0x2800, $0x38;
	[tilespmem:$0x1FEA0] =	vst v63  }
0x41: {  	_ =	swait.ge [sflag:s1], $0x2800  }
0x42: {  	[sflag:s1] =	ssyncset.done $0x0  }
0x43: {  	[sflag:s1] =	ssyncadd.s32 $0xFFFFD800  }
0x44: {  	[tilespmem:s25], [sflag:$0x7] =	stream.linear.gather [spmem:s11], $0x2800, $0x38;
	[tilespmem:$0x1FEA0] =	vst v63  }
0x45: {  	_ =	swait.ge [sflag:s26], $0x2800  }
0x46: {  	[sflag:s26] =	ssyncset.done $0x0  }
0x47: {  	s19 =	rddreg [dreg:$0xa];
	[sflag:s26] =	ssyncadd.s32 $0xFFFFD800  }
0x48: {  	[hbm4b:s19+s4] =	stream.linear.scatter [tilespmem:s25], [sflag:$0x1], $0x2800, $0x38;
	[tilespmem:$0x1FEA0] =	vst v63  }
0x49: {  	_ =	swait.ge [sflag:s28], $0x2800  }
0x4a: {  	[sflag:s28] =	ssyncset.done $0x0  }
0x4b: {  	[sflag:s28] =	ssyncadd.s32 $0xFFFFD800  }
0x4c: {  	[tilespmem:s31], [sflag:$0x7] =	stream.linear.gather [spmem:s12], $0x2800, $0x38;
	[tilespmem:$0x1FEA0] =	vst v63  }
0x4d: {  	_ =	swait.ge [sflag:s26], $0x2800  }
0x4e: {  	[sflag:s26] =	ssyncset.done $0x0  }
0x4f: {  	s20 =	rddreg [dreg:$0xb];
	[sflag:s26] =	ssyncadd.s32 $0xFFFFD800  }
0x50: {  	[hbm4b:s20+s4] =	stream.linear.scatter [tilespmem:s31], [sflag:$0x2], $0x2800, $0x38;
	[tilespmem:$0x1FEA0] =	vst v63  }
0x51: {  	_ =	swait.ge [sflag:s5], $0x2800  }
0x52: {  	[sflag:s5] =	ssyncset.done $0x0  }
0x53: {  	[sflag:s5] =	ssyncadd.s32 $0xFFFFD800  }
0x54: {  	[tilespmem:s0], [sflag:$0x7] =	stream.linear.gather [spmem:s13], $0x2800, $0x38;
	[tilespmem:$0x1FEA0] =	vst v63  }
0x55: {  	_ =	swait.ge [sflag:s26], $0x2800  }
0x56: {  	[sflag:s26] =	ssyncset.done $0x0  }
0x57: {  	[sflag:s26] =	ssyncadd.s32 $0xFFFFD800  }
0x58: {  	[hbm4b:s21+s4] =	stream.linear.scatter [tilespmem:s0], [sflag:$0x3], $0x2800, $0x38;
	[tilespmem:$0x1FEA0] =	vst v63  }
0x59: {  	_ =	swait.ge [sflag:s1], $0x2800  }
0x5a: {  	[sflag:s1] =	ssyncset.done $0x0  }
0x5b: {  	[sflag:s1] =	ssyncadd.s32 $0xFFFFD800  }
0x5c: {  	[tilespmem:s25], [sflag:$0x7] =	stream.linear.gather [spmem:s14], $0x2800, $0x38;
	[tilespmem:$0x1FEA0] =	vst v63  }
0x5d: {  	_ =	swait.ge [sflag:s26], $0x2800  }
0x5e: {  	[sflag:s26] =	ssyncset.done $0x0  }
0x5f: {  	[sflag:s26] =	ssyncadd.s32 $0xFFFFD800  }
0x60: {  	[hbm4b:s22+s4] =	stream.linear.scatter [tilespmem:s25], [sflag:$0x1], $0x2800, $0x38;
	[tilespmem:$0x1FEA0] =	vst v63  }
0x61: {  	_ =	swait.ge [sflag:s28], $0x2800  }
0x62: {  	[sflag:s28] =	ssyncset.done $0x0  }
0x63: {  	[sflag:s28] =	ssyncadd.s32 $0xFFFFD800  }
0x64: {  	[tilespmem:s31], [sflag:$0x7] =	stream.linear.gather [spmem:s15], $0x2080, $0x38;
	[tilespmem:$0x1FEA0] =	vst v63  }
0x65: {  	_ =	swait.ge [sflag:s26], $0x2080  }
0x66: {  	[sflag:s26] =	ssyncset.done $0x0  }
0x67: {  	[sflag:s26] =	ssyncadd.s32 $0xFFFFDF80  }
0x68: {  	[hbm4b:s23+s4] =	stream.linear.scatter [tilespmem:s31], [sflag:$0x2], $0x2080, $0x38;
	[tilespmem:$0x1FEA0] =	vst v63  }
0x69: {  	_ =	swait.ge [sflag:s5], $0x2800  }
0x6a: {  	[sflag:s5] =	ssyncset.done $0x0  }
0x6b: {  	s16 =	sadd.s32 $0x1, s16;
	[sflag:s5] =	ssyncadd.s32 $0xFFFFD800  }
0x6c: {  	p0 =	sne.s32 s16, s24;
	_ =	swait.ge [sflag:s1], $0x2800  }
.Ltmp1:
0x6d: {  	[sflag:s1] =	ssyncset.done $0x0;
	(pc) =	sbr.rel @!p0 .LBB2_8-.Ltmp1, $4  }
0x6e: {  	[sflag:s1] =	ssyncadd.s32 $0xFFFFD800  }
0x6f: {  	_ =	swait.ge [sflag:s28], $0x2080  }
0x70: {  	[sflag:s28] =	ssyncset.done $0x0  }
0x71: {  	[sflag:s28] =	ssyncadd.s32 $0xFFFFDF80  }
.LBB2_1:
0x72: {  	s17 =	rddreg [dreg:$0x4]  }
0x73: {  	[tilespmem:s25], [sflag:$0x7] =	stream.linear.gather [hbm4b:s17+s4], $0x2800, $0x38;
	[tilespmem:$0x1FEA0] =	vst v63  }
0x74: {  	_ =	swait.ge [sflag:s26], $0x2800  }
0x75: {  	[sflag:s26] =	ssyncset.done $0x0  }
0x76: {  	s19 =	rddreg [dreg:$0x5];
	[sflag:s26] =	ssyncadd.s32 $0xFFFFD800  }
0x77: {  	[tilespmem:s4], [sflag:$0x7] =	stream.linear.gather [hbm4b:s19+s4], $0x2710, $0x38;
	[tilespmem:$0x1FEA0] =	vst v63  }
0x78: {  	_ =	swait.ge [sflag:s26], $0x2710  }
0x79: {  	[sflag:s26] =	ssyncset.done $0x0  }
0x7a: {  	s18 =	simm.s32 $0x2710;
	s20 =	rddreg [dreg:$0x6];
	[sflag:s26] =	ssyncadd.s32 $0xFFFFD8F0  }
0x7b: {  	[tilespmem:s18], [sflag:$0x7] =	stream.linear.gather [hbm4b:s20+s4], $0x2710, $0x38;
	[tilespmem:$0x1FEA0] =	vst v63  }
0x7c: {  	_ =	swait.ge [sflag:s26], $0x2710  }
0x7d: {  	[sflag:s26] =	ssyncset.done $0x0  }
0x7e: {  	[sflag:s26] =	ssyncadd.s32 $0xFFFFD8F0  }
0x7f: {  	[spmem:s8] =	stream.linear.scatter [tilespmem:s25], [sflag:$0x4], $0x2800, $0x38;
	[tilespmem:$0x1FEA0] =	vst v63  }
0x80: {  	_ = 	snop  }
0x81: {  	[spmem:s9] =	stream.linear.scatter [tilespmem:s25], [sflag:$0x4], $0x2800, $0x38;
	[tilespmem:$0x1FEA0] =	vst v63  }
0x82: {  	_ = 	snop  }
0x83: {  	[spmem:s10] =	stream.linear.scatter [tilespmem:s25], [sflag:$0x4], $0x2800, $0x38;
	[tilespmem:$0x1FEA0] =	vst v63  }
0x84: {  	_ = 	snop  }
0x85: {  	[spmem:s11] =	stream.linear.scatter [tilespmem:s25], [sflag:$0x4], $0x2800, $0x38;
	[tilespmem:$0x1FEA0] =	vst v63  }
0x86: {  	_ = 	snop  }
0x87: {  	[spmem:s12] =	stream.linear.scatter [tilespmem:s25], [sflag:$0x4], $0x2800, $0x38;
	[tilespmem:$0x1FEA0] =	vst v63  }
0x88: {  	_ = 	snop  }
0x89: {  	[spmem:s13] =	stream.linear.scatter [tilespmem:s25], [sflag:$0x4], $0x2800, $0x38;
	[tilespmem:$0x1FEA0] =	vst v63  }
0x8a: {  	_ = 	snop  }
0x8b: {  	[spmem:s14] =	stream.linear.scatter [tilespmem:s25], [sflag:$0x4], $0x2800, $0x38;
	[tilespmem:$0x1FEA0] =	vst v63  }
0x8c: {  	_ = 	snop  }
0x8d: {  	[spmem:s15] =	stream.linear.scatter [tilespmem:s25], [sflag:$0x4], $0x2080, $0x38;
	[tilespmem:$0x1FEA0] =	vst v63  }
0x8e: {  	_ =	swait.ge [sflag:s29], $0x2800  }
0x8f: {  	[sflag:s29] =	ssyncset.done $0x0  }
0x90: {  	[sflag:s29] =	ssyncadd.s32 $0xFFFFD800  }
0x91: {  	_ =	swait.ge [sflag:s29], $0x2800  }
0x92: {  	[sflag:s29] =	ssyncset.done $0x0  }
0x93: {  	[sflag:s29] =	ssyncadd.s32 $0xFFFFD800  }
0x94: {  	_ =	swait.ge [sflag:s29], $0x2800  }
0x95: {  	[sflag:s29] =	ssyncset.done $0x0  }
0x96: {  	[sflag:s29] =	ssyncadd.s32 $0xFFFFD800  }
0x97: {  	_ =	swait.ge [sflag:s29], $0x2800  }
0x98: {  	[sflag:s29] =	ssyncset.done $0x0  }
0x99: {  	[sflag:s29] =	ssyncadd.s32 $0xFFFFD800  }
0x9a: {  	_ =	swait.ge [sflag:s29], $0x2800  }
0x9b: {  	[sflag:s29] =	ssyncset.done $0x0  }
0x9c: {  	[sflag:s29] =	ssyncadd.s32 $0xFFFFD800  }
0x9d: {  	_ =	swait.ge [sflag:s29], $0x2800  }
0x9e: {  	[sflag:s29] =	ssyncset.done $0x0  }
0x9f: {  	[sflag:s29] =	ssyncadd.s32 $0xFFFFD800  }
0xa0: {  	_ =	swait.ge [sflag:s29], $0x2800  }
0xa1: {  	[sflag:s29] =	ssyncset.done $0x0  }
0xa2: {  	[sflag:s29] =	ssyncadd.s32 $0xFFFFD800  }
0xa3: {  	_ =	swait.ge [sflag:s29], $0x2080  }
0xa4: {  	[sflag:s29] =	ssyncset.done $0x0  }
.Ltmp2:
0xa5: {  	[sflag:s29] =	ssyncadd.s32 $0xFFFFDF80;
	(pc) =	sbr.rel .LBB2_2-.Ltmp2, $4  }
0xa6: {  	[bflag:$0x0] =	sbarrier.arrive $0xFFFF  }
0xa7: {  	[tilespmem:s25], [sflag:$0x1] =	stream.indirect.gather [hbm4b:s2+s30], $0x80, s4, s30, $0xb8;
	[tilespmem:$0x1FEA0] =	vst v63  }
0xa8: {  	s17 =	simm.s32 $0x0;
	s18 =	simm.s32 $0x0  }
0xa9: {  	[tilespmem:s31], [sflag:$0x2] =	stream.indirect.gather [hbm4b:s2+s30], $0x80, s30, s30, $0xb8;
	[tilespmem:$0x1FEA0] =	vst v63  }
.LBB2_5:
0xaa: {  	s20 =	sadd.s32 $0xA0, s19  }
0xab: {  	[tilespmem:s0], [sflag:$0x3] =	stream.indirect.gather [hbm4b:s2+s30], $0x80, s20, s30, $0xb8;
	[tilespmem:$0x1FEA0] =	vst v63  }
.LBB2_6:
0xac: {  	_ =	swait.ge [sflag:s28], $0x2800  }
0xad: {  	[sflag:s28] =	ssyncset.done $0x0  }
0xae: {  	s20 =	sadd.s32 $0x2760, s19;
	[sflag:s28] =	ssyncadd.s32 $0xFFFFD800  }
0xaf: {  	[spmem:s3] =	stream.indirect.scatter.add.f32 [tilespmem:s31], [sflag:$0x5], $0x80, s20, s30, $0xb8;
	[tilespmem:$0x1FEA0] =	vst v63  }
0xb0: {  	_ =	swait.ge [sflag:s29], $0x2800  }
0xb1: {  	[sflag:s29] =	ssyncset.done $0x0  }
0xb2: {  	s20 =	sadd.s32 $0xF0, s19;
	[sflag:s29] =	ssyncadd.s32 $0xFFFFD800  }
0xb3: {  	[tilespmem:s25], [sflag:$0x1] =	stream.indirect.gather [hbm4b:s2+s30], $0x80, s20, s30, $0xb8;
	[tilespmem:$0x1FEA0] =	vst v63  }
0xb4: {  	_ =	swait.ge [sflag:s5], $0x2800  }
0xb5: {  	s17 =	sadd.s32 $0x3C0, s17;
	[sflag:s5] =	ssyncset.done $0x0  }
0xb6: {  	p0 =	sne.s32 s17, $0x99C0;
	s20 =	sadd.s32 $0x27B0, s19;
	[sflag:s5] =	ssyncadd.s32 $0xFFFFD800  }
0xb7: {  	[spmem:s3] =	stream.indirect.scatter.add.f32 [tilespmem:s0], [sflag:$0x6], $0x80, s20, s30, $0xb8;
	[tilespmem:$0x1FEA0] =	vst v63  }
.Ltmp3:
0xb8: {  	_ = 	snop;
	(pc) =	sbr.rel @!p0 .LBB2_7-.Ltmp3, $4  }
0xb9: {  	_ =	swait.ge [sflag:s6], $0x2800  }
0xba: {  	[sflag:s6] =	ssyncset.done $0x0  }
0xbb: {  	s18 =	sadd.s32 $0x1, s18;
	s20 =	sadd.s32 $0x140, s19;
	[sflag:s6] =	ssyncadd.s32 $0xFFFFD800  }
0xbc: {  	[tilespmem:s31], [sflag:$0x2] =	stream.indirect.gather [hbm4b:s2+s30], $0x80, s20, s30, $0xb8;
	[tilespmem:$0x1FEA0] =	vst v63  }
.LBB2_2:
0xbd: {  	p0 =	seq.s32 s18, $0x0  }
.Ltmp4:
0xbe: {  	_ = 	snop;
	(pc) =	sbr.rel @p0 .LBB2_5-.Ltmp4, $4  }
0xbf: {  	_ =	swait.ge [sflag:s1], $0x2800  }
0xc0: {  	s19 =	sshra.s32 s17, $0x2;
	[sflag:s1] =	ssyncset.done $0x0  }
0xc1: {  	s20 =	sadd.s32 $0x2710, s19;
	[sflag:s1] =	ssyncadd.s32 $0xFFFFD800  }
0xc2: {  	[spmem:s3] =	stream.indirect.scatter.add.f32 [tilespmem:s25], [sflag:$0x4], $0x80, s20, s30, $0xb8;
	[tilespmem:$0x1FEA0] =	vst v63  }
0xc3: {  	p0 =	seq.s32 s18, $0x29  }
.Ltmp5:
0xc4: {  	_ = 	snop;
	(pc) =	sbr.rel @p0 .LBB2_6-.Ltmp5, $1  }
0xc5: {  	_ =	sdelay $0x3  }
.Ltmp6:
0xc6: {  	(pc) =	sbr.rel .LBB2_5-.Ltmp6, $4  }
0xc7: {  	_ = 	snop  }
0xc8: {  	_ =	swait.ge [sflag:s7], $0x2800  }
0xc9: {  	[sflag:s7] =	ssyncset.done $0x0  }
0xca: {  	[sflag:s7] =	ssyncadd.s32 $0xFFFFD800  }
.LBB2_8:
0xcb: {  	_ =	sfence.sel $0x180000  }
0xcc: {  	[bflag:$0x0] =	sbarrier.arrive $0xFFFF  }
0xcd: {  	_ =	strace $0x9000004A  }
0xce: {  	s0 =	stileid.u32;
	[bflag:$0x2] =	sbarrier.arrive $0xFFFF  }
0xcf: {  	p0 =	sne.s32 s0, $0x0;
	s0 =	rddreg [dreg:$0x3]  }
0xd0: {  	s0 =	sadd.s32 @!p0 $0x100000, s0  }
0xd1: {  	[sflag:s0] =	ssyncadd.tile.s32 @!p0 $0x1;
	_ =	shalt  }
.Lfunc_end2:
_tile_overlayer_lowered:
.L_overlay_start_2:
0xd2: {  	(tag) =	ssettag $0x2  }
0xd3: {  	s0 =	rddreg [dreg:$0x0];
	s2 =	stileid.u32  }
0xd4: {  	s1 =	rddreg [dreg:$0x1];
	p0 =	sne.s32 s2, $0x0  }
0xd5: {  	s3 =	rddreg [dreg:$0x2];
	[bflag:$0x3] =	sbarrier.arrive $0xFFFF;
	s2 =	simm.s32 @!p0 $0x1C07  }
0xd6: {  	[timem:s3], [sflag:s2] =	dma.local @!p0 [hbm:s0], s1  }
0xd7: {  	s0 =	simm.s32 @!p0 $0x7  }
0xd8: {  	_ =	swait.ge @!p0 [sflag:s0], s1  }
0xd9: {  	s1 =	ssub.s32 @!p0 $0x0, s1;
	[sflag:s0] =	ssyncset.done @!p0 $0x0  }
0xda: {  	[sflag:s0] =	ssyncadd.s32 @!p0 s1  }
0xdb: {  	[bflag:$0x3] =	sbarrier.arrive $0xFFFF  }
0xdc: {  	_ =	shalt  }

// kernel: kernel.7.cloned.1.call-start
scs
__scs_entry_jumppad:
0x0: {  	(pc) =	sbr.rel $0x88, $3  }
0x1: {  	(tag) =	ssettag $0x0;
	lr =	simm.s32 $0x1  }
0x2: {  	[smem:$0x3F9B] =	sst lr;
	_ =	strace $0xD0000000  }
0x3: {  	_ = 	snop  }
0x4: {  	_ = 	snop  }
0x5: {  	_ = 	snop  }
0x6: {  	_ = 	snop  }
0x7: {  	_ = 	snop  }
__scs_overlays_trampoline_lowered:
0x8: {  	[smem:$0x3FAA] =	sst s0  }
0x9: {  	[smem:$0x3FAB] =	sst s1  }
0xa: {  	[smem:$0x3FAC] =	sst s2  }
0xb: {  	[smem:$0x3FAD] =	sst s3  }
0xc: {  	[smem:$0x3FAE] =	sst s4  }
0xd: {  	[smem:$0x3FAF] =	sst s5  }
0xe: {  	[smem:$0x3FB0] =	sst s6  }
0xf: {  	[smem:$0x3FB1] =	sst s7  }
0x10: {  	[smem:$0x3FB2] =	sst s8  }
0x11: {  	[smem:$0x3FB3] =	sst s9;
	s0 =	simm.s32 @!p0 $0x0  }
0x12: {  	s1 =	sld [smem:$0x3F99];
	s0 =	simm.s32 @p0 $0x1  }
0x13: {  	[smem:$0x3FB4] =	sst s0;
	s0 =	simm.s32 @!p1 $0x0  }
0x14: {  	s2 =	sld [smem:$0x3F98];
	s0 =	simm.s32 @p1 $0x1  }
0x15: {  	[smem:$0x3FB5] =	sst s0;
	s0 =	simm.s32 @!p2 $0x0  }
0x16: {  	s3 =	sld [smem:$0x3FDB];
	s0 =	simm.s32 @p2 $0x1  }
0x17: {  	s4 =	simm.s32 $0x1BF5;
	[smem:$0x3FB7] =	sst s0  }
0x18: {  	s0 =	sld [smem:$0x3F9A];
	_ =	swait.ge [sflag:s4], $0x0  }
0x19: {  	s7 =	sld [smem:$0x3F9B]  }
0x1a: {  	s8 =	sadd.s32 $0xFFFFE003, lr  }
0x1b: {  	s9 =	sadd.s32 $0xFFFFFEF7, lr;
	s5 =	simm.s32 $0xFFFFFFFF;
	p2 =	slt.u32 s8, $0xFFFFF086  }
0x1c: {  	p1 =	slt.u32 s9, $0xF7A;
	s5 =	simm.s32 @!p2 $0x0  }
0x1d: {  	s5 =	simm.s32 @p1 $0x1;
	p0 =	seq.s32 s7, s2  }
0x1e: {  	s7 =	smul.u32 @!p0 $0xF7A, s2;
	p2 =	seq.s32 @!p0 s5, $0x0  }
0x1f: {  	s9 =	smul.u32 $0xF7A, s1;
	s8 =	simm.s32 @!p0 $0x1BF5;
	p2 =	por !p2, p0  }
0x20: {  	[sflag:s8] =	ssyncset.s32 @!p0 $0xFFFFF086;
	s6 =	sadd.s32 @!p0 s3, s7;
	s7 =	simm.s32 @!p0 $0x108  }
0x21: {  	s3 =	sadd.s32 s3, s9;
	s6 =	sadd.s32 @!p0 $0x88, s6;
	s7 =	simm.s32 @p2 $0x1082  }
0x22: {  	[simem:s7], [sflag:s8] =	dma.local @!p0 [hbm:s6], $0xF7A  }
0x23: {  	s9 =	sor.u32 $0xD0000000, s2;
	s6 =	simm.s32 $0x108;
	_ =	swait.ge @!p0 [sflag:s8], $0x0  }
0x24: {  	s3 =	sadd.s32 $0x88, s3;
	s6 =	simm.s32 @!p1 $0x1082;
	[sflag:s4] =	ssyncset.s32 $0xFFFFF086  }
0x25: {  	[simem:s6], [sflag:s4] =	dma.local [hbm:s3], $0xF7A  }
0x26: {  	[smem:$0x3F9B] =	sst s1;
	(tag) =	ssettag s2;
	_ =	strace s9  }
0x27: {  	s1 =	sld [smem:$0x3FAB]  }
0x28: {  	s2 =	sld [smem:$0x3FAC]  }
0x29: {  	s4 =	sld [smem:$0x3FAE]  }
0x2a: {  	p0 =	seq.s32 s5, $0x0;
	s5 =	sld [smem:$0x3FAF]  }
0x2b: {  	s6 =	sld [smem:$0x3FB0]  }
0x2c: {  	s7 =	sld [smem:$0x3FB1]  }
0x2d: {  	s3 =	simm.s32 $0x108;
	s8 =	sld [smem:$0x3FB2]  }
0x2e: {  	s3 =	simm.s32 @!p0 $0x1082;
	s9 =	sld [smem:$0x3FB3]  }
0x2f: {  	lr =	sadd.s32 s0, s3;
	s0 =	sld [smem:$0x3FAA]  }
0x30: {  	s3 =	sld [smem:$0x3FAD]  }
0x31: {  	[smem:$0x3FB6] =	sst s10  }
0x32: {  	s10 =	sld [smem:$0x3FB4];
	_ =	sdelay $0x3  }
0x33: {  	p0 =	seq.s32 s10, $0x1;
	s10 =	sld [smem:$0x3FB6];
	_ =	sdelay $0x3  }
0x34: {  	[smem:$0x3FB6] =	sst s10  }
0x35: {  	s10 =	sld [smem:$0x3FB5];
	_ =	sdelay $0x3  }
0x36: {  	p1 =	seq.s32 s10, $0x1;
	s10 =	sld [smem:$0x3FB6];
	_ =	sdelay $0x3  }
0x37: {  	[smem:$0x3FB6] =	sst s10  }
0x38: {  	s10 =	sld [smem:$0x3FB7]  }
0x39: {  	_ = 	snop;
	(pc) =	sbr.ind lr, $3  }
0x3a: {  	_ = 	snop  }
0x3b: {  	_ = 	snop  }
0x3c: {  	p2 =	seq.s32 s10, $0x1;
	s10 =	sld [smem:$0x3FB6]  }
0x3d: {  	_ =	shalt  }
0x3e: {  	_ =	shalt  }
0x3f: {  	_ =	shalt  }
0x40: {  	_ =	shalt  }
0x41: {  	_ =	shalt  }
0x42: {  	_ =	shalt  }
0x43: {  	_ =	shalt  }
0x44: {  	_ =	shalt  }
0x45: {  	_ =	shalt  }
0x46: {  	_ =	shalt  }
0x47: {  	_ =	shalt  }
0x48: {  	_ =	shalt  }
0x49: {  	_ =	shalt  }
0x4a: {  	_ =	shalt  }
0x4b: {  	_ =	shalt  }
0x4c: {  	_ =	shalt  }
0x4d: {  	_ =	shalt  }
0x4e: {  	_ =	shalt  }
0x4f: {  	_ =	shalt  }
0x50: {  	_ =	shalt  }
0x51: {  	_ =	shalt  }
0x52: {  	_ =	shalt  }
0x53: {  	_ =	shalt  }
0x54: {  	_ =	shalt  }
0x55: {  	_ =	shalt  }
0x56: {  	_ =	shalt  }
0x57: {  	_ =	shalt  }
0x58: {  	_ =	shalt  }
0x59: {  	_ =	shalt  }
0x5a: {  	_ =	shalt  }
0x5b: {  	_ =	shalt  }
0x5c: {  	_ =	shalt  }
0x5d: {  	_ =	shalt  }
0x5e: {  	_ =	shalt  }
0x5f: {  	_ =	shalt  }
0x60: {  	_ =	shalt  }
0x61: {  	_ =	shalt  }
0x62: {  	_ =	shalt  }
0x63: {  	_ =	shalt  }
0x64: {  	_ =	shalt  }
0x65: {  	_ =	shalt  }
0x66: {  	_ =	shalt  }
0x67: {  	_ =	shalt  }
0x68: {  	_ =	shalt  }
0x69: {  	_ =	shalt  }
0x6a: {  	_ =	shalt  }
0x6b: {  	_ =	shalt  }
0x6c: {  	_ =	shalt  }
0x6d: {  	_ =	shalt  }
0x6e: {  	_ =	shalt  }
0x6f: {  	_ =	shalt  }
0x70: {  	_ =	shalt  }
0x71: {  	_ =	shalt  }
0x72: {  	_ =	shalt  }
0x73: {  	_ =	shalt  }
0x74: {  	_ =	shalt  }
0x75: {  	_ =	shalt  }
0x76: {  	_ =	shalt  }
0x77: {  	_ =	shalt  }
0x78: {  	_ =	shalt  }
0x79: {  	_ =	shalt  }
0x7a: {  	_ =	shalt  }
0x7b: {  	_ =	shalt  }
0x7c: {  	_ =	shalt  }
0x7d: {  	_ =	shalt  }
0x7e: {  	_ =	shalt  }
0x7f: {  	_ =	shalt  }
0x80: {  	_ =	shalt  }
0x81: {  	_ =	shalt  }
0x82: {  	_ =	shalt  }
0x83: {  	_ =	shalt  }
0x84: {  	_ =	shalt  }
0x85: {  	_ =	shalt  }
0x86: {  	_ =	shalt  }
0x87: {  	_ =	shalt  }
.Lfunc_end0:
.L_simem_size_0:
called_computation_lowered:
.L_overlay_start_0:
0x88: {  	s2 =	sld [smem:$0x3FD9]  }
0x89: {  	s3 =	sld [smem:$0x3FFE];
	_ =	sdelay $0x1  }
0x8a: {  	s1 =	srdreg.scid  }
0x8b: {  	s0 =	sand.u32 $0x1, s1  }
0x8c: {  	s17 =	sshll.u32 s0, $0xA;
	s2 =	sadd.s32 s3, s2  }
0x8d: {  	s2 =	sadd.s32 s2, s17  }
0x8e: {  	[smem:$0x3FC2] =	sst s2  }
0x8f: {  	_ = 	snop  }
0x90: {  	s2 =	sld [smem:$0x3FD0];
	(tm) =	ssettm $0x1  }
0x91: {  	s18 =	sld [smem:$0x3FFB];
	_ =	sdelay $0x3  }
0x92: {  	_ =	strace s18  }
0x93: {  	s3 =	sld [smem:$0x3FFC];
	_ =	sdelay $0x3  }
0x94: {  	_ =	strace s3  }
0x95: {  	s3 =	sld [smem:$0x3FFD];
	_ =	sdelay $0x3  }
0x96: {  	_ =	strace s3  }
0x97: {  	_ =	strace $0x8FFFFFFF  }
0x98: {  	s19 =	sld [smem:$0x3FDB];
	_ =	sdelay $0x1  }
0x99: {  	s4 =	simm.s32 $_scs_section_size  }
0x9a: {  	s5 =	simm.s32 $_size__tile_overlayer_lowered;
	s6 =	simm.s32 $_tile_overlayer_lowered  }
0x9b: {  	s22 =	simm.s32 $0x1BFF;
	s21 =	sshll.u32 s6, $0x1;
	s3 =	sadd.s32 s4, s19  }
0x9c: {  	s7 =	simm.s32 $0x0;
	s20 =	sshll.u32 s5, $0x1;
	s5 =	sadd.s32 s21, s3  }
0x9d: {  	[timem:s7], [sflag:s22] =	dma.local [hbm:s5], s20  }
0x9e: {  	_ =	swait.ge [sflag:s22], s20  }
0x9f: {  	s4 =	ssub.s32 $0x0, s20;
	[sflag:s22] =	ssyncset.done $0x0  }
0xa0: {  	[sflag:s22] =	ssyncadd.s32 s4;
	_ =	sdelay $0x1  }
0xa1: {  	s23 =	simm.s32 $0x1B8B  }
0xa2: {  	_ =	swait.ge [sflag:s23], $0x1  }
0xa3: {  	[sflag:s23] =	ssyncset.done $0x0  }
0xa4: {  	s25 =	simm.s32 $0x1B8E;
	s24 =	sld [smem:$0x3FFE];
	[sflag:s23] =	ssyncadd.s32 $0xFFFFFFFF  }
0xa5: {  	s26 =	simm.s32 $execute0_lowered;
	[smem:$0x3FD2] =	sst s25  }
0xa6: {  	s5 =	sshll.u32 s26, $0x1;
	_ =	strace $0x80000046;
	[dreg:$0x1] =	wrdreg $0xFFFFFFFF  }
0xa7: {  	s28 =	simm.s32 $_size_execute0_lowered;
	s3 =	sadd.s32 s3, s5;
	[dreg:$0x0] =	wrdreg $0x0  }
0xa8: {  	s5 =	sshll.u32 s28, $0x1;
	[dreg:$0x2] =	wrdreg s3  }
0xa9: {  	[dreg:$0x3] =	wrdreg s5  }
0xaa: {  	[dreg:$0x4] =	wrdreg $0xC0  }
0xab: {  	_ =	task [dreg:s7], $0x5FFFF  }
0xac: {  	[dreg:$0x1] =	wrdreg $0xFFFFFFFF  }
0xad: {  	[dreg:$0x0] =	wrdreg $0x60  }
0xae: {  	[dreg:$0x2] =	wrdreg s24  }
0xaf: {  	[dreg:$0x3] =	wrdreg s2  }
0xb0: {  	[dreg:$0x4] =	wrdreg $0x4E700  }
0xb1: {  	[dreg:$0x5] =	wrdreg $0x9  }
0xb2: {  	_ =	task.clear_ibuf [dreg:s7], $0x6FFFF;
	_ =	strace $0x90000046  }
0xb3: {  	s29 =	simm.s32 $0x9;
	_ =	strace $0x80000048  }
0xb4: {  	_ =	swait.ge [sflag:s29], $0x1  }
0xb5: {  	[sflag:s29] =	ssyncadd.s32 $0xFFFFFFFF  }
0xb6: {  	_ =	strace $0x90000048  }
0xb7: {  	_ =	sfence  }
0xb8: {  	s30 =	sld [smem:$0x0];
	_ =	sdelay $0x2  }
0xb9: {  	s31 =	sshll.u32 s1, $0xD;
	s1 =	sshrl.u32 s1, $0x2  }
0xba: {  	s3 =	sand.u32 $0x4000, s31;
	s1 =	sadd.s32 s1, s30  }
0xbb: {  	s0 =	sor.u32 s3, s0;
	s1 =	sshll.u32 s1, $0x11  }
0xbc: {  	s0 =	sor.u32 s1, s0  }
0xbd: {  	s0 =	sadd.s32 $0x8F2B, s0  }
0xbe: {  	[sflag:s0] =	ssyncadd.remote.s32 $0x1  }
0xbf: {  	_ =	sfence.sel $0xFFFF  }
0xc0: {  	[dreg:$0x0] =	wrdreg $0xFFFFFFFF;
	(pc) =	sbr.abs _section_cstart, $3  }
0xc1: {  	[dreg:$0x1] =	wrdreg $0xFFFFFFFF  }
0xc2: {  	_ =	task.clear_ibuf [dreg:s7], $0x2FFFF;
	_ =	strace $0x9FFFFFFF  }
0xc3: {  	(tm) =	ssettm $0x7FFFFFFF  }
tec
execute0_lowered:
.L_overlay_start_1:
0x0: {  	(tag) =	ssettag $0x1  }
0x1: {  	s5 =	rddreg [dreg:$0x0]  }
0x2: {  	s0 =	srdreg.scid;
	s6 =	rddreg [dreg:$0x1]  }
0x3: {  	s1 =	rddreg [dreg:$0x2];
	s8 =	stileid.u32;
	s2 =	simm.s32 $0x0  }
0x4: {  	s12 =	simm.s32 $0x0;
	s4 =	sand.u32 $0x1, s0;
	s0 =	rddreg [dreg:$0x3]  }
0x5: {  	[smem:$0x7FF] =	sst s2;
	p0 =	sne.s32 s8, $0x0;
	s3 =	sshll.u32 s4, $0x4  }
0x6: {  	_ =	strace $0x80000047;
	s11 =	smul.u32 $0x4E2, s4;
	s3 =	sor.u32 s8, s3  }
0x7: {  	s9 =	ssub.s32 $0x2, s4;
	s4 =	sadd.s32 $0x15800, s5;
	s7 =	smul.u32 $0x2710, s3  }
0x8: {  	s10 =	sshrl.u32 s9, $0x1;
	s8 =	simm.s32 $0x2710;
	s3 =	sadd.s32 $0x15600, s5  }
0x9: {  	s9 =	ssub.s32 s9, s10;
	s6 =	sadd.s32 s6, s11;
	s7 =	sshrl.u32 s7, $0x3  }
0xa: {  	s10 =	simm.s32 $0x50;
	s11 =	simm.s32 $0x1;
	s5 =	sadd.s32 s5, s7  }
0xb: {  	s7 =	smax.u32 s9, $0x1;
	s9 =	simm.s32 $0x2;
	s5 =	sadd.s32 $0xB840, s5  }
.LBB2_1:
0xc: {  	s13 =	simm.s32 @!p0 $0x0;
	s14 =	simm.s32 @!p0 $0x2760  }
0xd: {  	[tilespmem:s14], [sflag:$0x2] =	stream.linear.gather @!p0 [hbm4b:s4+s13], $0x2710, $0x38;
	[tilespmem:$0x50E8] =	vst v63  }
0xe: {  	s13 =	simm.s32 @!p0 $0x2  }
0xf: {  	_ =	swait.ge @!p0 [sflag:s13], $0x2710  }
0x10: {  	[sflag:s13] =	ssyncset.done @!p0 $0x0  }
0x11: {  	[sflag:s13] =	ssyncadd.s32 @!p0 $0xFFFFD8F0  }
0x12: {  	[spmem:s1] =	stream.linear.scatter @!p0 [tilespmem:s14], [sflag:$0x2], $0x2710, $0x38;
	[tilespmem:$0x50E8] =	vst v63  }
0x13: {  	_ =	swait.ge @!p0 [sflag:s13], $0x2710  }
0x14: {  	[sflag:s13] =	ssyncset.done @!p0 $0x0  }
0x15: {  	[sflag:s13] =	ssyncadd.s32 @!p0 $0xFFFFD8F0  }
0x16: {  	[tilespmem:s8], [sflag:$0x2] =	stream.linear.gather [hbm4b:s3+s2], $0x50, $0x38;
	[tilespmem:$0x50E8] =	vst v63  }
0x17: {  	_ =	swait.ge [sflag:s9], $0x50  }
0x18: {  	[sflag:s9] =	ssyncset.done $0x0  }
0x19: {  	[sflag:s9] =	ssyncadd.s32 $0xFFFFFFB0  }
0x1a: {  	[tilespmem:s2], [sflag:$0x2] =	stream.linear.gather [hbm4b:s5+s2], $0x2710, $0x38;
	[tilespmem:$0x50E8] =	vst v63  }
0x1b: {  	_ =	swait.ge [sflag:s9], $0x2710  }
0x1c: {  	[sflag:s9] =	ssyncset.done $0x0  }
0x1d: {  	[sflag:s9] =	ssyncadd.s32 $0xFFFFD8F0  }
0x1e: {  	s14 =	simm.s32 $0x0;
	s13 =	simm.s32 $0x140;
	[bflag:$0x0] =	sbarrier.arrive $0xFFFF  }
.LBB2_2:
0x1f: {  	[spmem:s1] =	stream.indirect.scatter.add.f32 [tilespmem:s8], [sflag:$0x1], $0x1, s14, s10, $0xb8;
	[tilespmem:$0x50E8] =	vst v63  }
0x20: {  	s14 =	smov.u32 s13;
	p1 =	sne.s32 s13, $0x9B00  }
.Ltmp0:
0x21: {  	s13 =	sadd.s32 $0x140, s13;
	(pc) =	sbr.rel @p1 .LBB2_2-.Ltmp0, $2  }
0x22: {  	_ =	sdelay $0x2  }
0x23: {  	s14 =	sshra.s32 s14, $0x2  }
0x24: {  	[spmem:s1] =	stream.indirect.scatter.add.f32 [tilespmem:s8], [sflag:$0x1], $0x1, s14, s10, $0xb8;
	[tilespmem:$0x50E8] =	vst v63  }
0x25: {  	_ =	swait.ge [sflag:s11], $0x2710  }
0x26: {  	[sflag:s11] =	ssyncset.done $0x0  }
0x27: {  	[sflag:s11] =	ssyncadd.s32 $0xFFFFD8F0  }
0x28: {  	s13 =	simm.s32 @!p0 $0x2760;
	s14 =	simm.s32 @!p0 $0x2;
	[bflag:$0x0] =	sbarrier.arrive $0xFFFF  }
0x29: {  	[tilespmem:s13], [sflag:$0x2] =	stream.linear.gather @!p0 [spmem:s1], $0x2710, $0x38;
	[tilespmem:$0x50E8] =	vst v63  }
0x2a: {  	s12 =	sadd.s32 $0x1, s12;
	_ =	swait.ge @!p0 [sflag:s14], $0x2710  }
0x2b: {  	p1 =	sne.s32 s12, s7;
	[sflag:s14] =	ssyncset.done @!p0 $0x0  }
.Ltmp1:
0x2c: {  	s15 =	simm.s32 @!p0 $0x0;
	[sflag:s14] =	ssyncadd.s32 @!p0 $0xFFFFD8F0;
	(pc) =	sbr.rel @p1 .LBB2_1-.Ltmp1, $4  }
0x2d: {  	[hbm4b:s6+s15] =	stream.linear.scatter @!p0 [tilespmem:s13], [sflag:$0x2], $0x2710, $0x38;
	[tilespmem:$0x50E8] =	vst v63  }
0x2e: {  	_ =	swait.ge @!p0 [sflag:s14], $0x2710  }
0x2f: {  	[sflag:s14] =	ssyncset.done @!p0 $0x0  }
0x30: {  	[sflag:s14] =	ssyncadd.s32 @!p0 $0xFFFFD8F0  }
0x31: {  	_ =	sfence.sel $0x180000  }
0x32: {  	[bflag:$0x0] =	sbarrier.arrive $0xFFFF  }
0x33: {  	_ =	strace $0x90000047  }
0x34: {  	s0 =	sadd.s32 @!p0 $0x100000, s0;
	[bflag:$0x2] =	sbarrier.arrive $0xFFFF  }
0x35: {  	[sflag:s0] =	ssyncadd.tile.s32 @!p0 $0x1;
	_ =	shalt  }
.Lfunc_end2:
_tile_overlayer_lowered:
.L_overlay_start_2:
0x36: {  	(tag) =	ssettag $0x2  }
0x37: {  	s0 =	rddreg [dreg:$0x0];
	s2 =	stileid.u32  }
0x38: {  	s1 =	rddreg [dreg:$0x1];
	p0 =	sne.s32 s2, $0x0  }
0x39: {  	s3 =	rddreg [dreg:$0x2];
	[bflag:$0x3] =	sbarrier.arrive $0xFFFF;
	s2 =	simm.s32 @!p0 $0x1C02  }
0x3a: {  	[timem:s3], [sflag:s2] =	dma.local @!p0 [hbm:s0], s1  }
0x3b: {  	s0 =	simm.s32 @!p0 $0x2  }
0x3c: {  	_ =	swait.ge @!p0 [sflag:s0], s1  }
0x3d: {  	s1 =	ssub.s32 @!p0 $0x0, s1;
	[sflag:s0] =	ssyncset.done @!p0 $0x0  }
0x3e: {  	[sflag:s0] =	ssyncadd.s32 @!p0 s1  }
0x3f: {  	[bflag:$0x3] =	sbarrier.arrive $0xFFFF  }
0x40: {  	_ =	shalt  }

</sc_bundles>
